<compile_context>
chip_gen: v7x
topology: tpu7x:2x2x1
jax: 0.10.2.dev20260603
libtpu: 0.0.44.dev20260713+nightly
codegen_flags: <defaults>
</compile_context>

<pallas_src>
import functools

import jax
import jax.numpy as jnp
from jax import lax
from jax.experimental import pallas as pl
from jax.experimental.pallas import tpu as pltpu
from jax.experimental.pallas import tpu_sc as plsc

_B = 4096
_D = 256
_K = 8192
_TEMP = 0.05
_LOG2E = 1.4426950408889634
_LN2 = 0.6931471805599453

_BB = 1024
_BC = 8192

_NC = 2
_NS = 16
_NW = _NC * _NS
_BPW = _B // _NW


def _lse_kernel(x_ref, f_ref, a_ref, s_ref):
    x = x_ref[:, :]
    norm = jnp.maximum(jnp.sqrt(jnp.sum(x * x, axis=1, keepdims=True)), 1e-12)
    xn = x * (_LOG2E / (norm * _TEMP))

    def half_sum(ci):
        chunk = f_ref[pl.ds(ci * _BC, _BC), :]
        logits = jax.lax.dot_general(
            xn, chunk,
            dimension_numbers=(((1,), (1,)), ((), ())),
            preferred_element_type=jnp.float32,
            precision=jax.lax.Precision.DEFAULT,
        )
        return jnp.sum(jnp.exp2(logits), axis=1)

    sm = half_sum(0)
    sh = half_sum(1)

    a_ref[:, 0] = (0.5 * _LN2) * (jnp.log2(sm) + jnp.log2(sh))
    s_ref[:, 0] = 0.5 / (norm[:, 0] * _TEMP)


def _target_dot_kernel(x_hbm, t_hbm, f_hbm, d_hbm,
                       idx_v, idx2_v, x_v, rm_v, rh_v, d_v, sem):
    wid = lax.axis_index("s") * _NC + lax.axis_index("c")
    base = wid * _BPW

    pltpu.sync_copy(t_hbm.at[pl.ds(base, _BPW)], idx_v)
    pltpu.sync_copy(x_hbm.at[pl.ds(base, _BPW), :], x_v)
    for i in range(_BPW // 16):
        idx2_v[pl.ds(i * 16, 16)] = idx_v[pl.ds(i * 16, 16)] + _K
    cm = pltpu.async_copy(f_hbm.at[idx_v], rm_v, sem)
    ch = pltpu.async_copy(f_hbm.at[idx2_v], rh_v, sem)
    cm.wait()
    ch.wait()

    def row(r, c):
        zm = jnp.zeros((16,), jnp.float32)
        zh = jnp.zeros((16,), jnp.float32)
        for j in range(_D // 16):
            xx = x_v[r, pl.ds(j * 16, 16)]
            zm = zm + xx * rm_v[r, pl.ds(j * 16, 16)]
            zh = zh + xx * rh_v[r, pl.ds(j * 16, 16)]
        d_v[pl.ds(r * 16, 16)] = zm + zh
        return c

    lax.fori_loop(0, _BPW, row, 0)
    pltpu.sync_copy(d_v, d_hbm.at[wid])


_sc_target_dots = functools.partial(
    pl.kernel,
    out_type=jax.ShapeDtypeStruct((_NW, _BPW * 16), jnp.float32),
    mesh=plsc.VectorSubcoreMesh(core_axis_name="c", subcore_axis_name="s"),
    scratch_types=[
        pltpu.VMEM((_BPW,), jnp.int32),
        pltpu.VMEM((_BPW,), jnp.int32),
        pltpu.VMEM((_BPW, _D), jnp.float32),
        pltpu.VMEM((_BPW, _D), jnp.float32),
        pltpu.VMEM((_BPW, _D), jnp.float32),
        pltpu.VMEM((_BPW * 16,), jnp.float32),
        pltpu.SemaphoreType.DMA,
    ],
)(_target_dot_kernel)


@jax.jit
def _run(inputs, targets, features):
    t32 = targets.astype(jnp.int32)
    nb = _B // _BB
    a, s = pl.pallas_call(
        _lse_kernel,
        grid=(nb,),
        in_specs=[
            pl.BlockSpec((_BB, _D), lambda b: (b, 0)),
            pl.BlockSpec((2 * _K, _D), lambda b: (0, 0)),
        ],
        out_specs=[
            pl.BlockSpec((_BB, 1), lambda b: (b, 0)),
            pl.BlockSpec((_BB, 1), lambda b: (b, 0)),
        ],
        out_shape=[
            jax.ShapeDtypeStruct((_B, 1), jnp.float32),
            jax.ShapeDtypeStruct((_B, 1), jnp.float32),
        ],
    )(inputs, features)

    d = _sc_target_dots(inputs, t32, features)
    tgt = jnp.sum(d.reshape(_B, 16), axis=1)
    return jnp.mean(a[:, 0] - s[:, 0] * tgt)


def kernel(inputs, targets, features):
    return _run(inputs, targets, features)

# --- scband reference (transcript-rebuilt; emitter-appended) ---
"""Pipeline reference for scband-cluster-memory-amp-16234976378943 (READ-ONLY COPY).

The authoritative reference and input builder live on the scoring server;
editing this copy changes nothing except your own understanding.
"""

import jax, jax.numpy as jnp
import numpy as np

B = 4096
D = 256
K = 8192  # number of clusters; features has 2*K rows (mean + hard banks)
TEMP = 0.05


def setup_inputs(seed: int = 0) -> dict:
    key = jax.random.key(seed)
    k1, k2, k3 = jax.random.split(key, 3)
    inputs = jax.random.normal(k1, (B, D), dtype=jnp.float32)
    targets = jax.random.randint(k2, (B,), 0, K, dtype=jnp.int64)
    feats = jax.random.normal(k3, (2 * K, D), dtype=jnp.float32)
    # memory bank rows are kept L2-normalized in the original implementation
    feats = feats / jnp.linalg.norm(feats, axis=1, keepdims=True)
    return {"inputs": inputs, "targets": targets, "features": feats}


def _cross_entropy(logits, targets):
    logp = jax.nn.log_softmax(logits, axis=1)
    nll = -jnp.take_along_axis(logp, targets[:, None], axis=1)[:, 0]
    return jnp.mean(nll)


def reference(inputs, targets, features):
    # F.normalize(inputs, dim=1)
    x = inputs / jnp.clip(jnp.linalg.norm(inputs, axis=1, keepdims=True), 1e-12)
    # cm_mix forward: inputs.mm(features.t())  (features is a constant memory bank)
    outputs = x @ features.T
    outputs = outputs / TEMP
    mean, hard = jnp.split(outputs, 2, axis=1)
    loss = 0.5 * (_cross_entropy(hard, targets) + _cross_entropy(mean, targets))
    return loss

if __name__ == "__main__":
    import jax
    _d = setup_inputs()
    print(jax.jit(kernel)(*tuple(_d.values())))

</pallas_src>

<mosaic_0001>
#map = affine_map<(d0, d1) -> (0, 0)>
#map1 = affine_map<(d0, d1) -> (0)>
module attributes {stable_mosaic.version = 14 : i64} {
  func.func @_target_dot_kernel(%arg0: i32, %arg1: i32, %arg2: memref<4096x256xf32, #tpu.memory_space<hbm>>, %arg3: memref<4096xi32, #tpu.memory_space<hbm>>, %arg4: memref<16384x256xf32, #tpu.memory_space<hbm>>, %arg5: memref<32x2048xf32, #tpu.memory_space<hbm>>, %arg6: memref<128xi32, #tpu.memory_space<vmem>>, %arg7: memref<128xi32, #tpu.memory_space<vmem>>, %arg8: memref<128x256xf32, #tpu.memory_space<vmem>>, %arg9: memref<128x256xf32, #tpu.memory_space<vmem>>, %arg10: memref<128x256xf32, #tpu.memory_space<vmem>>, %arg11: memref<2048xf32, #tpu.memory_space<vmem>>, %arg12: memref<!tpu.dma_semaphore, #tpu.memory_space<semaphore_mem>>) attributes {dimension_semantics = [#tpu.dimension_semantics<core_parallel>, #tpu.dimension_semantics<subcore_parallel>], iteration_bounds = array<i64: 2, 16>, scalar_prefetch = 0 : i64, scratch_operands = 7 : i64, tpu.core_type = #tpu.core_type<sc_vector_subcore>, window_params = [{transform_indices = #map}, {transform_indices = #map1}, {transform_indices = #map}, {transform_indices = #map}]} {
    %mul3A = arith.constant 2 : i32
    %mul3A_0 = arith.muli %arg1, %mul3A : i32
    %add3A = arith.addi %mul3A_0, %arg0 : i32
    %mul3A_1 = arith.constant 128 : i32
    %mul3A_2 = arith.muli %add3A, %mul3A_1 : i32
    "tpu.region"() ({
      %run_scoped3A = tpu.sem_alloc : memref<!tpu.dma_semaphore, #tpu.memory_space<semaphore_mem>>
      %dma_start3A_96 = tpu.memref_slice %arg3[%mul3A_2] : memref<4096xi32, #tpu.memory_space<hbm>> -> memref<128xi32, #tpu.memory_space<hbm>>
      %dma_start3A_97 = tpu.memref_slice %arg3[%mul3A_2] : memref<4096xi32, #tpu.memory_space<hbm>> -> memref<128xi32, #tpu.memory_space<hbm>>
      tpu.enqueue_dma source(%dma_start3A_97 : memref<128xi32, #tpu.memory_space<hbm>>) target(%arg6 : memref<128xi32, #tpu.memory_space<vmem>>) target_semaphore(%run_scoped3A : memref<!tpu.dma_semaphore, #tpu.memory_space<semaphore_mem>>)
      %dma_wait3A_98 = tpu.memref_slice %arg3[%mul3A_2] : memref<4096xi32, #tpu.memory_space<hbm>> -> memref<128xi32, #tpu.memory_space<hbm>>
      %dma_wait3A_99 = tpu.memref_slice %arg3[%mul3A_2] : memref<4096xi32, #tpu.memory_space<hbm>> -> memref<128xi32, #tpu.memory_space<hbm>>
      tpu.wait_dma2 semaphore(%run_scoped3A : memref<!tpu.dma_semaphore, #tpu.memory_space<semaphore_mem>>) src(%dma_wait3A_99 : memref<128xi32, #tpu.memory_space<hbm>>) dst(%arg6 : memref<128xi32, #tpu.memory_space<vmem>>)
      tpu.yield
    }) : () -> ()
    "tpu.region"() ({
      %run_scoped3A = tpu.sem_alloc : memref<!tpu.dma_semaphore, #tpu.memory_space<semaphore_mem>>
      %dma_start3A_96 = arith.constant 0 : i32
      %dma_start3A_97 = tpu.memref_slice %arg2[%mul3A_2, %dma_start3A_96] : memref<4096x256xf32, #tpu.memory_space<hbm>> -> memref<128x256xf32, #tpu.memory_space<hbm>>
      %dma_start3A_98 = arith.constant 0 : i32
      %dma_start3A_99 = tpu.memref_slice %arg2[%mul3A_2, %dma_start3A_98] : memref<4096x256xf32, #tpu.memory_space<hbm>> -> memref<128x256xf32, #tpu.memory_space<hbm>>
      tpu.enqueue_dma source(%dma_start3A_99 : memref<128x256xf32, #tpu.memory_space<hbm>>) target(%arg8 : memref<128x256xf32, #tpu.memory_space<vmem>>) target_semaphore(%run_scoped3A : memref<!tpu.dma_semaphore, #tpu.memory_space<semaphore_mem>>)
      %dma_wait3A_100 = arith.constant 0 : i32
      %dma_wait3A_101 = tpu.memref_slice %arg2[%mul3A_2, %dma_wait3A_100] : memref<4096x256xf32, #tpu.memory_space<hbm>> -> memref<128x256xf32, #tpu.memory_space<hbm>>
      %dma_wait3A_102 = arith.constant 0 : i32
      %dma_wait3A_103 = tpu.memref_slice %arg2[%mul3A_2, %dma_wait3A_102] : memref<4096x256xf32, #tpu.memory_space<hbm>> -> memref<128x256xf32, #tpu.memory_space<hbm>>
      tpu.wait_dma2 semaphore(%run_scoped3A : memref<!tpu.dma_semaphore, #tpu.memory_space<semaphore_mem>>) src(%dma_wait3A_103 : memref<128x256xf32, #tpu.memory_space<hbm>>) dst(%arg8 : memref<128x256xf32, #tpu.memory_space<vmem>>)
      tpu.yield
    }) : () -> ()
    %get3A = arith.constant 0 : index
    %get3A_3 = tpu.vector_load %arg6[%get3A] {strides = array<i32>} : memref<128xi32, #tpu.memory_space<vmem>>, vector<16xi32>,
    %get3A_4 = vector.shape_cast %get3A_3 : vector<16xi32> to vector<16xi32>
    %add3A_5 = arith.constant 8192 : i32
    %add3A_6 = vector.broadcast %add3A_5 : i32 to vector<16xi32>
    %add3A_7 = arith.addi %get3A_4, %add3A_6 : vector<16xi32>
    %swap3A = arith.constant 0 : index
    %swap3A_8 = tpu.vector_load %arg7[%swap3A] {strides = array<i32>} : memref<128xi32, #tpu.memory_space<vmem>>, vector<16xi32>,
    %swap3A_9 = vector.shape_cast %swap3A_8 : vector<16xi32> to vector<16xi32>
    %swap3A_10 = vector.shape_cast %add3A_7 : vector<16xi32> to vector<16xi32>
    tpu.vector_store %arg7[%swap3A], %swap3A_10 {strides = array<i32>} : memref<128xi32, #tpu.memory_space<vmem>>, vector<16xi32>,
    %get3A_11 = arith.constant 16 : index
    %get3A_12 = tpu.vector_load %arg6[%get3A_11] {strides = array<i32>} : memref<128xi32, #tpu.memory_space<vmem>>, vector<16xi32>,
    %get3A_13 = vector.shape_cast %get3A_12 : vector<16xi32> to vector<16xi32>
    %add3A_14 = arith.constant 8192 : i32
    %add3A_15 = vector.broadcast %add3A_14 : i32 to vector<16xi32>
    %add3A_16 = arith.addi %get3A_13, %add3A_15 : vector<16xi32>
    %swap3A_17 = arith.constant 16 : index
    %swap3A_18 = tpu.vector_load %arg7[%swap3A_17] {strides = array<i32>} : memref<128xi32, #tpu.memory_space<vmem>>, vector<16xi32>,
    %swap3A_19 = vector.shape_cast %swap3A_18 : vector<16xi32> to vector<16xi32>
    %swap3A_20 = vector.shape_cast %add3A_16 : vector<16xi32> to vector<16xi32>
    tpu.vector_store %arg7[%swap3A_17], %swap3A_20 {strides = array<i32>} : memref<128xi32, #tpu.memory_space<vmem>>, vector<16xi32>,
    %get3A_21 = arith.constant 32 : index
    %get3A_22 = tpu.vector_load %arg6[%get3A_21] {strides = array<i32>} : memref<128xi32, #tpu.memory_space<vmem>>, vector<16xi32>,
    %get3A_23 = vector.shape_cast %get3A_22 : vector<16xi32> to vector<16xi32>
    %add3A_24 = arith.constant 8192 : i32
    %add3A_25 = vector.broadcast %add3A_24 : i32 to vector<16xi32>
    %add3A_26 = arith.addi %get3A_23, %add3A_25 : vector<16xi32>
    %swap3A_27 = arith.constant 32 : index
    %swap3A_28 = tpu.vector_load %arg7[%swap3A_27] {strides = array<i32>} : memref<128xi32, #tpu.memory_space<vmem>>, vector<16xi32>,
    %swap3A_29 = vector.shape_cast %swap3A_28 : vector<16xi32> to vector<16xi32>
    %swap3A_30 = vector.shape_cast %add3A_26 : vector<16xi32> to vector<16xi32>
    tpu.vector_store %arg7[%swap3A_27], %swap3A_30 {strides = array<i32>} : memref<128xi32, #tpu.memory_space<vmem>>, vector<16xi32>,
    %get3A_31 = arith.constant 48 : index
    %get3A_32 = tpu.vector_load %arg6[%get3A_31] {strides = array<i32>} : memref<128xi32, #tpu.memory_space<vmem>>, vector<16xi32>,
    %get3A_33 = vector.shape_cast %get3A_32 : vector<16xi32> to vector<16xi32>
    %add3A_34 = arith.constant 8192 : i32
    %add3A_35 = vector.broadcast %add3A_34 : i32 to vector<16xi32>
    %add3A_36 = arith.addi %get3A_33, %add3A_35 : vector<16xi32>
    %swap3A_37 = arith.constant 48 : index
    %swap3A_38 = tpu.vector_load %arg7[%swap3A_37] {strides = array<i32>} : memref<128xi32, #tpu.memory_space<vmem>>, vector<16xi32>,
    %swap3A_39 = vector.shape_cast %swap3A_38 : vector<16xi32> to vector<16xi32>
    %swap3A_40 = vector.shape_cast %add3A_36 : vector<16xi32> to vector<16xi32>
    tpu.vector_store %arg7[%swap3A_37], %swap3A_40 {strides = array<i32>} : memref<128xi32, #tpu.memory_space<vmem>>, vector<16xi32>,
    %get3A_41 = arith.constant 64 : index
    %get3A_42 = tpu.vector_load %arg6[%get3A_41] {strides = array<i32>} : memref<128xi32, #tpu.memory_space<vmem>>, vector<16xi32>,
    %get3A_43 = vector.shape_cast %get3A_42 : vector<16xi32> to vector<16xi32>
    %add3A_44 = arith.constant 8192 : i32
    %add3A_45 = vector.broadcast %add3A_44 : i32 to vector<16xi32>
    %add3A_46 = arith.addi %get3A_43, %add3A_45 : vector<16xi32>
    %swap3A_47 = arith.constant 64 : index
    %swap3A_48 = tpu.vector_load %arg7[%swap3A_47] {strides = array<i32>} : memref<128xi32, #tpu.memory_space<vmem>>, vector<16xi32>,
    %swap3A_49 = vector.shape_cast %swap3A_48 : vector<16xi32> to vector<16xi32>
    %swap3A_50 = vector.shape_cast %add3A_46 : vector<16xi32> to vector<16xi32>
    tpu.vector_store %arg7[%swap3A_47], %swap3A_50 {strides = array<i32>} : memref<128xi32, #tpu.memory_space<vmem>>, vector<16xi32>,
    %get3A_51 = arith.constant 80 : index
    %get3A_52 = tpu.vector_load %arg6[%get3A_51] {strides = array<i32>} : memref<128xi32, #tpu.memory_space<vmem>>, vector<16xi32>,
    %get3A_53 = vector.shape_cast %get3A_52 : vector<16xi32> to vector<16xi32>
    %add3A_54 = arith.constant 8192 : i32
    %add3A_55 = vector.broadcast %add3A_54 : i32 to vector<16xi32>
    %add3A_56 = arith.addi %get3A_53, %add3A_55 : vector<16xi32>
    %swap3A_57 = arith.constant 80 : index
    %swap3A_58 = tpu.vector_load %arg7[%swap3A_57] {strides = array<i32>} : memref<128xi32, #tpu.memory_space<vmem>>, vector<16xi32>,
    %swap3A_59 = vector.shape_cast %swap3A_58 : vector<16xi32> to vector<16xi32>
    %swap3A_60 = vector.shape_cast %add3A_56 : vector<16xi32> to vector<16xi32>
    tpu.vector_store %arg7[%swap3A_57], %swap3A_60 {strides = array<i32>} : memref<128xi32, #tpu.memory_space<vmem>>, vector<16xi32>,
    %get3A_61 = arith.constant 96 : index
    %get3A_62 = tpu.vector_load %arg6[%get3A_61] {strides = array<i32>} : memref<128xi32, #tpu.memory_space<vmem>>, vector<16xi32>,
    %get3A_63 = vector.shape_cast %get3A_62 : vector<16xi32> to vector<16xi32>
    %add3A_64 = arith.constant 8192 : i32
    %add3A_65 = vector.broadcast %add3A_64 : i32 to vector<16xi32>
    %add3A_66 = arith.addi %get3A_63, %add3A_65 : vector<16xi32>
    %swap3A_67 = arith.constant 96 : index
    %swap3A_68 = tpu.vector_load %arg7[%swap3A_67] {strides = array<i32>} : memref<128xi32, #tpu.memory_space<vmem>>, vector<16xi32>,
    %swap3A_69 = vector.shape_cast %swap3A_68 : vector<16xi32> to vector<16xi32>
    %swap3A_70 = vector.shape_cast %add3A_66 : vector<16xi32> to vector<16xi32>
    tpu.vector_store %arg7[%swap3A_67], %swap3A_70 {strides = array<i32>} : memref<128xi32, #tpu.memory_space<vmem>>, vector<16xi32>,
    %get3A_71 = arith.constant 112 : index
    %get3A_72 = tpu.vector_load %arg6[%get3A_71] {strides = array<i32>} : memref<128xi32, #tpu.memory_space<vmem>>, vector<16xi32>,
    %get3A_73 = vector.shape_cast %get3A_72 : vector<16xi32> to vector<16xi32>
    %add3A_74 = arith.constant 8192 : i32
    %add3A_75 = vector.broadcast %add3A_74 : i32 to vector<16xi32>
    %add3A_76 = arith.addi %get3A_73, %add3A_75 : vector<16xi32>
    %swap3A_77 = arith.constant 112 : index
    %swap3A_78 = tpu.vector_load %arg7[%swap3A_77] {strides = array<i32>} : memref<128xi32, #tpu.memory_space<vmem>>, vector<16xi32>,
    %swap3A_79 = vector.shape_cast %swap3A_78 : vector<16xi32> to vector<16xi32>
    %swap3A_80 = vector.shape_cast %add3A_76 : vector<16xi32> to vector<16xi32>
    tpu.vector_store %arg7[%swap3A_77], %swap3A_80 {strides = array<i32>} : memref<128xi32, #tpu.memory_space<vmem>>, vector<16xi32>,
    %dma_start3A = arith.constant 0 : i32
    %dma_start3A_81 = arith.constant 0 : i32
    %dma_start3A_82 = tpu.memref_slice %arg4[%dma_start3A, %dma_start3A_81] : memref<16384x256xf32, #tpu.memory_space<hbm>> -> memref<16384x256xf32, #tpu.memory_space<hbm>>
    tpu.enqueue_indirect_dma source(%dma_start3A_82 : memref<16384x256xf32, #tpu.memory_space<hbm>>) target(%arg9 : memref<128x256xf32, #tpu.memory_space<vmem>>) offsets(%arg6 : memref<128xi32, #tpu.memory_space<vmem>>) semaphore(%arg12 : memref<!tpu.dma_semaphore, #tpu.memory_space<semaphore_mem>>)
    %dma_start3A_83 = arith.constant 0 : i32
    %dma_start3A_84 = arith.constant 0 : i32
    %dma_start3A_85 = tpu.memref_slice %arg4[%dma_start3A_83, %dma_start3A_84] : memref<16384x256xf32, #tpu.memory_space<hbm>> -> memref<16384x256xf32, #tpu.memory_space<hbm>>
    tpu.enqueue_indirect_dma source(%dma_start3A_85 : memref<16384x256xf32, #tpu.memory_space<hbm>>) target(%arg10 : memref<128x256xf32, #tpu.memory_space<vmem>>) offsets(%arg7 : memref<128xi32, #tpu.memory_space<vmem>>) semaphore(%arg12 : memref<!tpu.dma_semaphore, #tpu.memory_space<semaphore_mem>>)
    %dma_wait3A = arith.constant 0 : i32
    %dma_wait3A_86 = arith.constant 0 : i32
    %dma_wait3A_87 = tpu.memref_slice %arg4[%dma_wait3A, %dma_wait3A_86] : memref<16384x256xf32, #tpu.memory_space<hbm>> -> memref<16384x256xf32, #tpu.memory_space<hbm>>
    tpu.wait_indirect_dma semaphore(%arg12 : memref<!tpu.dma_semaphore, #tpu.memory_space<semaphore_mem>>) src(%dma_wait3A_87 : memref<16384x256xf32, #tpu.memory_space<hbm>>) dst(%arg9 : memref<128x256xf32, #tpu.memory_space<vmem>>)
    %dma_wait3A_88 = arith.constant 0 : i32
    %dma_wait3A_89 = arith.constant 0 : i32
    %dma_wait3A_90 = tpu.memref_slice %arg4[%dma_wait3A_88, %dma_wait3A_89] : memref<16384x256xf32, #tpu.memory_space<hbm>> -> memref<16384x256xf32, #tpu.memory_space<hbm>>
    tpu.wait_indirect_dma semaphore(%arg12 : memref<!tpu.dma_semaphore, #tpu.memory_space<semaphore_mem>>) src(%dma_wait3A_90 : memref<16384x256xf32, #tpu.memory_space<hbm>>) dst(%arg10 : memref<128x256xf32, #tpu.memory_space<vmem>>)
    %scan3A = arith.constant 0 : i32
    %scan3A_91 = arith.constant 0 : i32
    %scan3A_92 = arith.constant 128 : i32
    %scan3A_93 = arith.addi %scan3A_91, %scan3A_92 : i32
    %scan3A_94 = arith.constant 1 : i32
    scf.for %scan3A_96 = %scan3A_91 to %scan3A_93 step %scan3A_94  : i32 {
      %broadcast_in_dim3A = arith.constant 0.000000e+00 : f32
      %broadcast_in_dim3A_97 = vector.broadcast %broadcast_in_dim3A : f32 to vector<16xf32>
      %broadcast_in_dim3A_98 = arith.constant 0.000000e+00 : f32
      %broadcast_in_dim3A_99 = vector.broadcast %broadcast_in_dim3A_98 : f32 to vector<16xf32>
      %get3A_100 = arith.index_cast %scan3A_96 : i32 to index
      %get3A_101 = arith.constant 0 : index
      %get3A_102 = tpu.vector_load %arg8[%get3A_100, %get3A_101] {strides = array<i32>} : memref<128x256xf32, #tpu.memory_space<vmem>>, vector<1x16xf32>,
      %get3A_103 = vector.shape_cast %get3A_102 : vector<1x16xf32> to vector<16xf32>
      %get3A_104 = arith.index_cast %scan3A_96 : i32 to index
      %get3A_105 = arith.constant 0 : index
      %get3A_106 = tpu.vector_load %arg9[%get3A_104, %get3A_105] {strides = array<i32>} : memref<128x256xf32, #tpu.memory_space<vmem>>, vector<1x16xf32>,
      %get3A_107 = vector.shape_cast %get3A_106 : vector<1x16xf32> to vector<16xf32>
      %mul3A_108 = arith.mulf %get3A_103, %get3A_107 : vector<16xf32>
      %add3A_109 = arith.addf %broadcast_in_dim3A_97, %mul3A_108 : vector<16xf32>
      %get3A_110 = arith.index_cast %scan3A_96 : i32 to index
      %get3A_111 = arith.constant 0 : index
      %get3A_112 = tpu.vector_load %arg10[%get3A_110, %get3A_111] {strides = array<i32>} : memref<128x256xf32, #tpu.memory_space<vmem>>, vector<1x16xf32>,
      %get3A_113 = vector.shape_cast %get3A_112 : vector<1x16xf32> to vector<16xf32>
      %mul3A_114 = arith.mulf %get3A_103, %get3A_113 : vector<16xf32>
      %add3A_115 = arith.addf %broadcast_in_dim3A_99, %mul3A_114 : vector<16xf32>
      %get3A_116 = arith.index_cast %scan3A_96 : i32 to index
      %get3A_117 = arith.constant 16 : index
      %get3A_118 = tpu.vector_load %arg8[%get3A_116, %get3A_117] {strides = array<i32>} : memref<128x256xf32, #tpu.memory_space<vmem>>, vector<1x16xf32>,
      %get3A_119 = vector.shape_cast %get3A_118 : vector<1x16xf32> to vector<16xf32>
      %get3A_120 = arith.index_cast %scan3A_96 : i32 to index
      %get3A_121 = arith.constant 16 : index
      %get3A_122 = tpu.vector_load %arg9[%get3A_120, %get3A_121] {strides = array<i32>} : memref<128x256xf32, #tpu.memory_space<vmem>>, vector<1x16xf32>,
      %get3A_123 = vector.shape_cast %get3A_122 : vector<1x16xf32> to vector<16xf32>
      %mul3A_124 = arith.mulf %get3A_119, %get3A_123 : vector<16xf32>
      %add3A_125 = arith.addf %add3A_109, %mul3A_124 : vector<16xf32>
      %get3A_126 = arith.index_cast %scan3A_96 : i32 to index
      %get3A_127 = arith.constant 16 : index
      %get3A_128 = tpu.vector_load %arg10[%get3A_126, %get3A_127] {strides = array<i32>} : memref<128x256xf32, #tpu.memory_space<vmem>>, vector<1x16xf32>,
      %get3A_129 = vector.shape_cast %get3A_128 : vector<1x16xf32> to vector<16xf32>
      %mul3A_130 = arith.mulf %get3A_119, %get3A_129 : vector<16xf32>
      %add3A_131 = arith.addf %add3A_115, %mul3A_130 : vector<16xf32>
      %get3A_132 = arith.index_cast %scan3A_96 : i32 to index
      %get3A_133 = arith.constant 32 : index
      %get3A_134 = tpu.vector_load %arg8[%get3A_132, %get3A_133] {strides = array<i32>} : memref<128x256xf32, #tpu.memory_space<vmem>>, vector<1x16xf32>,
      %get3A_135 = vector.shape_cast %get3A_134 : vector<1x16xf32> to vector<16xf32>
      %get3A_136 = arith.index_cast %scan3A_96 : i32 to index
      %get3A_137 = arith.constant 32 : index
      %get3A_138 = tpu.vector_load %arg9[%get3A_136, %get3A_137] {strides = array<i32>} : memref<128x256xf32, #tpu.memory_space<vmem>>, vector<1x16xf32>,
      %get3A_139 = vector.shape_cast %get3A_138 : vector<1x16xf32> to vector<16xf32>
      %mul3A_140 = arith.mulf %get3A_135, %get3A_139 : vector<16xf32>
      %add3A_141 = arith.addf %add3A_125, %mul3A_140 : vector<16xf32>
      %get3A_142 = arith.index_cast %scan3A_96 : i32 to index
      %get3A_143 = arith.constant 32 : index
      %get3A_144 = tpu.vector_load %arg10[%get3A_142, %get3A_143] {strides = array<i32>} : memref<128x256xf32, #tpu.memory_space<vmem>>, vector<1x16xf32>,
      %get3A_145 = vector.shape_cast %get3A_144 : vector<1x16xf32> to vector<16xf32>
      %mul3A_146 = arith.mulf %get3A_135, %get3A_145 : vector<16xf32>
      %add3A_147 = arith.addf %add3A_131, %mul3A_146 : vector<16xf32>
      %get3A_148 = arith.index_cast %scan3A_96 : i32 to index
      %get3A_149 = arith.constant 48 : index
      %get3A_150 = tpu.vector_load %arg8[%get3A_148, %get3A_149] {strides = array<i32>} : memref<128x256xf32, #tpu.memory_space<vmem>>, vector<1x16xf32>,
      %get3A_151 = vector.shape_cast %get3A_150 : vector<1x16xf32> to vector<16xf32>
      %get3A_152 = arith.index_cast %scan3A_96 : i32 to index
      %get3A_153 = arith.constant 48 : index
      %get3A_154 = tpu.vector_load %arg9[%get3A_152, %get3A_153] {strides = array<i32>} : memref<128x256xf32, #tpu.memory_space<vmem>>, vector<1x16xf32>,
      %get3A_155 = vector.shape_cast %get3A_154 : vector<1x16xf32> to vector<16xf32>
      %mul3A_156 = arith.mulf %get3A_151, %get3A_155 : vector<16xf32>
      %add3A_157 = arith.addf %add3A_141, %mul3A_156 : vector<16xf32>
      %get3A_158 = arith.index_cast %scan3A_96 : i32 to index
      %get3A_159 = arith.constant 48 : index
      %get3A_160 = tpu.vector_load %arg10[%get3A_158, %get3A_159] {strides = array<i32>} : memref<128x256xf32, #tpu.memory_space<vmem>>, vector<1x16xf32>,
      %get3A_161 = vector.shape_cast %get3A_160 : vector<1x16xf32> to vector<16xf32>
      %mul3A_162 = arith.mulf %get3A_151, %get3A_161 : vector<16xf32>
      %add3A_163 = arith.addf %add3A_147, %mul3A_162 : vector<16xf32>
      %get3A_164 = arith.index_cast %scan3A_96 : i32 to index
      %get3A_165 = arith.constant 64 : index
      %get3A_166 = tpu.vector_load %arg8[%get3A_164, %get3A_165] {strides = array<i32>} : memref<128x256xf32, #tpu.memory_space<vmem>>, vector<1x16xf32>,
      %get3A_167 = vector.shape_cast %get3A_166 : vector<1x16xf32> to vector<16xf32>
      %get3A_168 = arith.index_cast %scan3A_96 : i32 to index
      %get3A_169 = arith.constant 64 : index
      %get3A_170 = tpu.vector_load %arg9[%get3A_168, %get3A_169] {strides = array<i32>} : memref<128x256xf32, #tpu.memory_space<vmem>>, vector<1x16xf32>,
      %get3A_171 = vector.shape_cast %get3A_170 : vector<1x16xf32> to vector<16xf32>
      %mul3A_172 = arith.mulf %get3A_167, %get3A_171 : vector<16xf32>
      %add3A_173 = arith.addf %add3A_157, %mul3A_172 : vector<16xf32>
      %get3A_174 = arith.index_cast %scan3A_96 : i32 to index
      %get3A_175 = arith.constant 64 : index
      %get3A_176 = tpu.vector_load %arg10[%get3A_174, %get3A_175] {strides = array<i32>} : memref<128x256xf32, #tpu.memory_space<vmem>>, vector<1x16xf32>,
      %get3A_177 = vector.shape_cast %get3A_176 : vector<1x16xf32> to vector<16xf32>
      %mul3A_178 = arith.mulf %get3A_167, %get3A_177 : vector<16xf32>
      %add3A_179 = arith.addf %add3A_163, %mul3A_178 : vector<16xf32>
      %get3A_180 = arith.index_cast %scan3A_96 : i32 to index
      %get3A_181 = arith.constant 80 : index
      %get3A_182 = tpu.vector_load %arg8[%get3A_180, %get3A_181] {strides = array<i32>} : memref<128x256xf32, #tpu.memory_space<vmem>>, vector<1x16xf32>,
      %get3A_183 = vector.shape_cast %get3A_182 : vector<1x16xf32> to vector<16xf32>
      %get3A_184 = arith.index_cast %scan3A_96 : i32 to index
      %get3A_185 = arith.constant 80 : index
      %get3A_186 = tpu.vector_load %arg9[%get3A_184, %get3A_185] {strides = array<i32>} : memref<128x256xf32, #tpu.memory_space<vmem>>, vector<1x16xf32>,
      %get3A_187 = vector.shape_cast %get3A_186 : vector<1x16xf32> to vector<16xf32>
      %mul3A_188 = arith.mulf %get3A_183, %get3A_187 : vector<16xf32>
      %add3A_189 = arith.addf %add3A_173, %mul3A_188 : vector<16xf32>
      %get3A_190 = arith.index_cast %scan3A_96 : i32 to index
      %get3A_191 = arith.constant 80 : index
      %get3A_192 = tpu.vector_load %arg10[%get3A_190, %get3A_191] {strides = array<i32>} : memref<128x256xf32, #tpu.memory_space<vmem>>, vector<1x16xf32>,
      %get3A_193 = vector.shape_cast %get3A_192 : vector<1x16xf32> to vector<16xf32>
      %mul3A_194 = arith.mulf %get3A_183, %get3A_193 : vector<16xf32>
      %add3A_195 = arith.addf %add3A_179, %mul3A_194 : vector<16xf32>
      %get3A_196 = arith.index_cast %scan3A_96 : i32 to index
      %get3A_197 = arith.constant 96 : index
      %get3A_198 = tpu.vector_load %arg8[%get3A_196, %get3A_197] {strides = array<i32>} : memref<128x256xf32, #tpu.memory_space<vmem>>, vector<1x16xf32>,
      %get3A_199 = vector.shape_cast %get3A_198 : vector<1x16xf32> to vector<16xf32>
      %get3A_200 = arith.index_cast %scan3A_96 : i32 to index
      %get3A_201 = arith.constant 96 : index
      %get3A_202 = tpu.vector_load %arg9[%get3A_200, %get3A_201] {strides = array<i32>} : memref<128x256xf32, #tpu.memory_space<vmem>>, vector<1x16xf32>,
      %get3A_203 = vector.shape_cast %get3A_202 : vector<1x16xf32> to vector<16xf32>
      %mul3A_204 = arith.mulf %get3A_199, %get3A_203 : vector<16xf32>
      %add3A_205 = arith.addf %add3A_189, %mul3A_204 : vector<16xf32>
      %get3A_206 = arith.index_cast %scan3A_96 : i32 to index
      %get3A_207 = arith.constant 96 : index
      %get3A_208 = tpu.vector_load %arg10[%get3A_206, %get3A_207] {strides = array<i32>} : memref<128x256xf32, #tpu.memory_space<vmem>>, vector<1x16xf32>,
      %get3A_209 = vector.shape_cast %get3A_208 : vector<1x16xf32> to vector<16xf32>
      %mul3A_210 = arith.mulf %get3A_199, %get3A_209 : vector<16xf32>
      %add3A_211 = arith.addf %add3A_195, %mul3A_210 : vector<16xf32>
      %get3A_212 = arith.index_cast %scan3A_96 : i32 to index
      %get3A_213 = arith.constant 112 : index
      %get3A_214 = tpu.vector_load %arg8[%get3A_212, %get3A_213] {strides = array<i32>} : memref<128x256xf32, #tpu.memory_space<vmem>>, vector<1x16xf32>,
      %get3A_215 = vector.shape_cast %get3A_214 : vector<1x16xf32> to vector<16xf32>
      %get3A_216 = arith.index_cast %scan3A_96 : i32 to index
      %get3A_217 = arith.constant 112 : index
      %get3A_218 = tpu.vector_load %arg9[%get3A_216, %get3A_217] {strides = array<i32>} : memref<128x256xf32, #tpu.memory_space<vmem>>, vector<1x16xf32>,
      %get3A_219 = vector.shape_cast %get3A_218 : vector<1x16xf32> to vector<16xf32>
      %mul3A_220 = arith.mulf %get3A_215, %get3A_219 : vector<16xf32>
      %add3A_221 = arith.addf %add3A_205, %mul3A_220 : vector<16xf32>
      %get3A_222 = arith.index_cast %scan3A_96 : i32 to index
      %get3A_223 = arith.constant 112 : index
      %get3A_224 = tpu.vector_load %arg10[%get3A_222, %get3A_223] {strides = array<i32>} : memref<128x256xf32, #tpu.memory_space<vmem>>, vector<1x16xf32>,
      %get3A_225 = vector.shape_cast %get3A_224 : vector<1x16xf32> to vector<16xf32>
      %mul3A_226 = arith.mulf %get3A_215, %get3A_225 : vector<16xf32>
      %add3A_227 = arith.addf %add3A_211, %mul3A_226 : vector<16xf32>
      %get3A_228 = arith.index_cast %scan3A_96 : i32 to index
      %get3A_229 = arith.constant 128 : index
      %get3A_230 = tpu.vector_load %arg8[%get3A_228, %get3A_229] {strides = array<i32>} : memref<128x256xf32, #tpu.memory_space<vmem>>, vector<1x16xf32>,
      %get3A_231 = vector.shape_cast %get3A_230 : vector<1x16xf32> to vector<16xf32>
      %get3A_232 = arith.index_cast %scan3A_96 : i32 to index
      %get3A_233 = arith.constant 128 : index
      %get3A_234 = tpu.vector_load %arg9[%get3A_232, %get3A_233] {strides = array<i32>} : memref<128x256xf32, #tpu.memory_space<vmem>>, vector<1x16xf32>,
      %get3A_235 = vector.shape_cast %get3A_234 : vector<1x16xf32> to vector<16xf32>
      %mul3A_236 = arith.mulf %get3A_231, %get3A_235 : vector<16xf32>
      %add3A_237 = arith.addf %add3A_221, %mul3A_236 : vector<16xf32>
      %get3A_238 = arith.index_cast %scan3A_96 : i32 to index
      %get3A_239 = arith.constant 128 : index
      %get3A_240 = tpu.vector_load %arg10[%get3A_238, %get3A_239] {strides = array<i32>} : memref<128x256xf32, #tpu.memory_space<vmem>>, vector<1x16xf32>,
      %get3A_241 = vector.shape_cast %get3A_240 : vector<1x16xf32> to vector<16xf32>
      %mul3A_242 = arith.mulf %get3A_231, %get3A_241 : vector<16xf32>
      %add3A_243 = arith.addf %add3A_227, %mul3A_242 : vector<16xf32>
      %get3A_244 = arith.index_cast %scan3A_96 : i32 to index
      %get3A_245 = arith.constant 144 : index
      %get3A_246 = tpu.vector_load %arg8[%get3A_244, %get3A_245] {strides = array<i32>} : memref<128x256xf32, #tpu.memory_space<vmem>>, vector<1x16xf32>,
      %get3A_247 = vector.shape_cast %get3A_246 : vector<1x16xf32> to vector<16xf32>
      %get3A_248 = arith.index_cast %scan3A_96 : i32 to index
      %get3A_249 = arith.constant 144 : index
      %get3A_250 = tpu.vector_load %arg9[%get3A_248, %get3A_249] {strides = array<i32>} : memref<128x256xf32, #tpu.memory_space<vmem>>, vector<1x16xf32>,
      %get3A_251 = vector.shape_cast %get3A_250 : vector<1x16xf32> to vector<16xf32>
      %mul3A_252 = arith.mulf %get3A_247, %get3A_251 : vector<16xf32>
      %add3A_253 = arith.addf %add3A_237, %mul3A_252 : vector<16xf32>
      %get3A_254 = arith.index_cast %scan3A_96 : i32 to index
      %get3A_255 = arith.constant 144 : index
      %get3A_256 = tpu.vector_load %arg10[%get3A_254, %get3A_255] {strides = array<i32>} : memref<128x256xf32, #tpu.memory_space<vmem>>, vector<1x16xf32>,
      %get3A_257 = vector.shape_cast %get3A_256 : vector<1x16xf32> to vector<16xf32>
      %mul3A_258 = arith.mulf %get3A_247, %get3A_257 : vector<16xf32>
      %add3A_259 = arith.addf %add3A_243, %mul3A_258 : vector<16xf32>
      %get3A_260 = arith.index_cast %scan3A_96 : i32 to index
      %get3A_261 = arith.constant 160 : index
      %get3A_262 = tpu.vector_load %arg8[%get3A_260, %get3A_261] {strides = array<i32>} : memref<128x256xf32, #tpu.memory_space<vmem>>, vector<1x16xf32>,
      %get3A_263 = vector.shape_cast %get3A_262 : vector<1x16xf32> to vector<16xf32>
      %get3A_264 = arith.index_cast %scan3A_96 : i32 to index
      %get3A_265 = arith.constant 160 : index
      %get3A_266 = tpu.vector_load %arg9[%get3A_264, %get3A_265] {strides = array<i32>} : memref<128x256xf32, #tpu.memory_space<vmem>>, vector<1x16xf32>,
      %get3A_267 = vector.shape_cast %get3A_266 : vector<1x16xf32> to vector<16xf32>
      %mul3A_268 = arith.mulf %get3A_263, %get3A_267 : vector<16xf32>
      %add3A_269 = arith.addf %add3A_253, %mul3A_268 : vector<16xf32>
      %get3A_270 = arith.index_cast %scan3A_96 : i32 to index
      %get3A_271 = arith.constant 160 : index
      %get3A_272 = tpu.vector_load %arg10[%get3A_270, %get3A_271] {strides = array<i32>} : memref<128x256xf32, #tpu.memory_space<vmem>>, vector<1x16xf32>,
      %get3A_273 = vector.shape_cast %get3A_272 : vector<1x16xf32> to vector<16xf32>
      %mul3A_274 = arith.mulf %get3A_263, %get3A_273 : vector<16xf32>
      %add3A_275 = arith.addf %add3A_259, %mul3A_274 : vector<16xf32>
      %get3A_276 = arith.index_cast %scan3A_96 : i32 to index
      %get3A_277 = arith.constant 176 : index
      %get3A_278 = tpu.vector_load %arg8[%get3A_276, %get3A_277] {strides = array<i32>} : memref<128x256xf32, #tpu.memory_space<vmem>>, vector<1x16xf32>,
      %get3A_279 = vector.shape_cast %get3A_278 : vector<1x16xf32> to vector<16xf32>
      %get3A_280 = arith.index_cast %scan3A_96 : i32 to index
      %get3A_281 = arith.constant 176 : index
      %get3A_282 = tpu.vector_load %arg9[%get3A_280, %get3A_281] {strides = array<i32>} : memref<128x256xf32, #tpu.memory_space<vmem>>, vector<1x16xf32>,
      %get3A_283 = vector.shape_cast %get3A_282 : vector<1x16xf32> to vector<16xf32>
      %mul3A_284 = arith.mulf %get3A_279, %get3A_283 : vector<16xf32>
      %add3A_285 = arith.addf %add3A_269, %mul3A_284 : vector<16xf32>
      %get3A_286 = arith.index_cast %scan3A_96 : i32 to index
      %get3A_287 = arith.constant 176 : index
      %get3A_288 = tpu.vector_load %arg10[%get3A_286, %get3A_287] {strides = array<i32>} : memref<128x256xf32, #tpu.memory_space<vmem>>, vector<1x16xf32>,
      %get3A_289 = vector.shape_cast %get3A_288 : vector<1x16xf32> to vector<16xf32>
      %mul3A_290 = arith.mulf %get3A_279, %get3A_289 : vector<16xf32>
      %add3A_291 = arith.addf %add3A_275, %mul3A_290 : vector<16xf32>
      %get3A_292 = arith.index_cast %scan3A_96 : i32 to index
      %get3A_293 = arith.constant 192 : index
      %get3A_294 = tpu.vector_load %arg8[%get3A_292, %get3A_293] {strides = array<i32>} : memref<128x256xf32, #tpu.memory_space<vmem>>, vector<1x16xf32>,
      %get3A_295 = vector.shape_cast %get3A_294 : vector<1x16xf32> to vector<16xf32>
      %get3A_296 = arith.index_cast %scan3A_96 : i32 to index
      %get3A_297 = arith.constant 192 : index
      %get3A_298 = tpu.vector_load %arg9[%get3A_296, %get3A_297] {strides = array<i32>} : memref<128x256xf32, #tpu.memory_space<vmem>>, vector<1x16xf32>,
      %get3A_299 = vector.shape_cast %get3A_298 : vector<1x16xf32> to vector<16xf32>
      %mul3A_300 = arith.mulf %get3A_295, %get3A_299 : vector<16xf32>
      %add3A_301 = arith.addf %add3A_285, %mul3A_300 : vector<16xf32>
      %get3A_302 = arith.index_cast %scan3A_96 : i32 to index
      %get3A_303 = arith.constant 192 : index
      %get3A_304 = tpu.vector_load %arg10[%get3A_302, %get3A_303] {strides = array<i32>} : memref<128x256xf32, #tpu.memory_space<vmem>>, vector<1x16xf32>,
      %get3A_305 = vector.shape_cast %get3A_304 : vector<1x16xf32> to vector<16xf32>
      %mul3A_306 = arith.mulf %get3A_295, %get3A_305 : vector<16xf32>
      %add3A_307 = arith.addf %add3A_291, %mul3A_306 : vector<16xf32>
      %get3A_308 = arith.index_cast %scan3A_96 : i32 to index
      %get3A_309 = arith.constant 208 : index
      %get3A_310 = tpu.vector_load %arg8[%get3A_308, %get3A_309] {strides = array<i32>} : memref<128x256xf32, #tpu.memory_space<vmem>>, vector<1x16xf32>,
      %get3A_311 = vector.shape_cast %get3A_310 : vector<1x16xf32> to vector<16xf32>
      %get3A_312 = arith.index_cast %scan3A_96 : i32 to index
      %get3A_313 = arith.constant 208 : index
      %get3A_314 = tpu.vector_load %arg9[%get3A_312, %get3A_313] {strides = array<i32>} : memref<128x256xf32, #tpu.memory_space<vmem>>, vector<1x16xf32>,
      %get3A_315 = vector.shape_cast %get3A_314 : vector<1x16xf32> to vector<16xf32>
      %mul3A_316 = arith.mulf %get3A_311, %get3A_315 : vector<16xf32>
      %add3A_317 = arith.addf %add3A_301, %mul3A_316 : vector<16xf32>
      %get3A_318 = arith.index_cast %scan3A_96 : i32 to index
      %get3A_319 = arith.constant 208 : index
      %get3A_320 = tpu.vector_load %arg10[%get3A_318, %get3A_319] {strides = array<i32>} : memref<128x256xf32, #tpu.memory_space<vmem>>, vector<1x16xf32>,
      %get3A_321 = vector.shape_cast %get3A_320 : vector<1x16xf32> to vector<16xf32>
      %mul3A_322 = arith.mulf %get3A_311, %get3A_321 : vector<16xf32>
      %add3A_323 = arith.addf %add3A_307, %mul3A_322 : vector<16xf32>
      %get3A_324 = arith.index_cast %scan3A_96 : i32 to index
      %get3A_325 = arith.constant 224 : index
      %get3A_326 = tpu.vector_load %arg8[%get3A_324, %get3A_325] {strides = array<i32>} : memref<128x256xf32, #tpu.memory_space<vmem>>, vector<1x16xf32>,
      %get3A_327 = vector.shape_cast %get3A_326 : vector<1x16xf32> to vector<16xf32>
      %get3A_328 = arith.index_cast %scan3A_96 : i32 to index
      %get3A_329 = arith.constant 224 : index
      %get3A_330 = tpu.vector_load %arg9[%get3A_328, %get3A_329] {strides = array<i32>} : memref<128x256xf32, #tpu.memory_space<vmem>>, vector<1x16xf32>,
      %get3A_331 = vector.shape_cast %get3A_330 : vector<1x16xf32> to vector<16xf32>
      %mul3A_332 = arith.mulf %get3A_327, %get3A_331 : vector<16xf32>
      %add3A_333 = arith.addf %add3A_317, %mul3A_332 : vector<16xf32>
      %get3A_334 = arith.index_cast %scan3A_96 : i32 to index
      %get3A_335 = arith.constant 224 : index
      %get3A_336 = tpu.vector_load %arg10[%get3A_334, %get3A_335] {strides = array<i32>} : memref<128x256xf32, #tpu.memory_space<vmem>>, vector<1x16xf32>,
      %get3A_337 = vector.shape_cast %get3A_336 : vector<1x16xf32> to vector<16xf32>
      %mul3A_338 = arith.mulf %get3A_327, %get3A_337 : vector<16xf32>
      %add3A_339 = arith.addf %add3A_323, %mul3A_338 : vector<16xf32>
      %get3A_340 = arith.index_cast %scan3A_96 : i32 to index
      %get3A_341 = arith.constant 240 : index
      %get3A_342 = tpu.vector_load %arg8[%get3A_340, %get3A_341] {strides = array<i32>} : memref<128x256xf32, #tpu.memory_space<vmem>>, vector<1x16xf32>,
      %get3A_343 = vector.shape_cast %get3A_342 : vector<1x16xf32> to vector<16xf32>
      %get3A_344 = arith.index_cast %scan3A_96 : i32 to index
      %get3A_345 = arith.constant 240 : index
      %get3A_346 = tpu.vector_load %arg9[%get3A_344, %get3A_345] {strides = array<i32>} : memref<128x256xf32, #tpu.memory_space<vmem>>, vector<1x16xf32>,
      %get3A_347 = vector.shape_cast %get3A_346 : vector<1x16xf32> to vector<16xf32>
      %mul3A_348 = arith.mulf %get3A_343, %get3A_347 : vector<16xf32>
      %add3A_349 = arith.addf %add3A_333, %mul3A_348 : vector<16xf32>
      %get3A_350 = arith.index_cast %scan3A_96 : i32 to index
      %get3A_351 = arith.constant 240 : index
      %get3A_352 = tpu.vector_load %arg10[%get3A_350, %get3A_351] {strides = array<i32>} : memref<128x256xf32, #tpu.memory_space<vmem>>, vector<1x16xf32>,
      %get3A_353 = vector.shape_cast %get3A_352 : vector<1x16xf32> to vector<16xf32>
      %mul3A_354 = arith.mulf %get3A_343, %get3A_353 : vector<16xf32>
      %add3A_355 = arith.addf %add3A_339, %mul3A_354 : vector<16xf32>
      %add3A_356 = arith.addf %add3A_349, %add3A_355 : vector<16xf32>
      %mul3A_357 = arith.constant 16 : i32
      %mul3A_358 = arith.muli %scan3A_96, %mul3A_357 : i32
      %swap3A_359 = arith.index_cast %mul3A_358 : i32 to index
      %swap3A_360 = tpu.vector_load %arg11[%swap3A_359] {strides = array<i32>} : memref<2048xf32, #tpu.memory_space<vmem>>, vector<16xf32>,
      %swap3A_361 = vector.shape_cast %swap3A_360 : vector<16xf32> to vector<16xf32>
      %swap3A_362 = vector.shape_cast %add3A_356 : vector<16xf32> to vector<16xf32>
      tpu.vector_store %arg11[%swap3A_359], %swap3A_362 {strides = array<i32>} : memref<2048xf32, #tpu.memory_space<vmem>>, vector<16xf32>,
    }
    %scan3A_95 = arith.constant 128 : i32
    "tpu.region"() ({
      %run_scoped3A = tpu.sem_alloc : memref<!tpu.dma_semaphore, #tpu.memory_space<semaphore_mem>>
      %dma_start3A_96 = arith.constant 0 : i32
      %dma_start3A_97 = tpu.memref_slice %arg5[%add3A, %dma_start3A_96] : memref<32x2048xf32, #tpu.memory_space<hbm>> -> memref<1x2048xf32, #tpu.memory_space<hbm>>
      %dma_start3A_98 = tpu.memref_squeeze %dma_start3A_97 : memref<1x2048xf32, #tpu.memory_space<hbm>> -> memref<2048xf32, #tpu.memory_space<hbm>>
      %dma_start3A_99 = arith.constant 0 : i32
      %dma_start3A_100 = tpu.memref_slice %arg5[%add3A, %dma_start3A_99] : memref<32x2048xf32, #tpu.memory_space<hbm>> -> memref<1x2048xf32, #tpu.memory_space<hbm>>
      %dma_start3A_101 = tpu.memref_squeeze %dma_start3A_100 : memref<1x2048xf32, #tpu.memory_space<hbm>> -> memref<2048xf32, #tpu.memory_space<hbm>>
      tpu.enqueue_dma source(%arg11 : memref<2048xf32, #tpu.memory_space<vmem>>) target(%dma_start3A_101 : memref<2048xf32, #tpu.memory_space<hbm>>) target_semaphore(%run_scoped3A : memref<!tpu.dma_semaphore, #tpu.memory_space<semaphore_mem>>)
      %dma_wait3A_102 = arith.constant 0 : i32
      %dma_wait3A_103 = tpu.memref_slice %arg5[%add3A, %dma_wait3A_102] : memref<32x2048xf32, #tpu.memory_space<hbm>> -> memref<1x2048xf32, #tpu.memory_space<hbm>>
      %dma_wait3A_104 = tpu.memref_squeeze %dma_wait3A_103 : memref<1x2048xf32, #tpu.memory_space<hbm>> -> memref<2048xf32, #tpu.memory_space<hbm>>
      %dma_wait3A_105 = arith.constant 0 : i32
      %dma_wait3A_106 = tpu.memref_slice %arg5[%add3A, %dma_wait3A_105] : memref<32x2048xf32, #tpu.memory_space<hbm>> -> memref<1x2048xf32, #tpu.memory_space<hbm>>
      %dma_wait3A_107 = tpu.memref_squeeze %dma_wait3A_106 : memref<1x2048xf32, #tpu.memory_space<hbm>> -> memref<2048xf32, #tpu.memory_space<hbm>>
      tpu.wait_dma2 semaphore(%run_scoped3A : memref<!tpu.dma_semaphore, #tpu.memory_space<semaphore_mem>>) src(%arg11 : memref<2048xf32, #tpu.memory_space<vmem>>) dst(%dma_wait3A_107 : memref<2048xf32, #tpu.memory_space<hbm>>)
      tpu.yield
    }) : () -> ()
    return
  }
}

module attributes {stable_mosaic.version = 14 : i64} {
  func.func @_lse_kernel(%arg0: i32, %arg1: memref<1024x256xf32, #tpu.memory_space<vmem>>, %arg2: memref<16384x256xf32, #tpu.memory_space<vmem>>, %arg3: memref<1024x1xf32, #tpu.memory_space<vmem>>, %arg4: memref<1024x1xf32, #tpu.memory_space<vmem>>) attributes {dimension_semantics = [#tpu.dimension_semantics<arbitrary>], iteration_bounds = array<i64: 4>, scalar_prefetch = 0 : i64, scratch_operands = 0 : i64, tpu.core_type = #tpu.core_type<tc>, window_params = [{transform_indices = @transform_0, window_bounds = array<i64: 1024, 256>}, {pipeline_mode = #tpu.pipeline_mode<synchronous>, transform_indices = @transform_1, window_bounds = array<i64: 16384, 256>}, {transform_indices = @transform_2, window_bounds = array<i64: 1024, 1>}, {transform_indices = @transform_3, window_bounds = array<i64: 1024, 1>}]} {
    %get3A = arith.constant 0 : index
    %get3A_0 = arith.constant 0 : index
    %get3A_1 = vector.load %arg1[%get3A, %get3A_0] : memref<1024x256xf32, #tpu.memory_space<vmem>>, vector<1024x256xf32>
    %mul3A = arith.mulf %get3A_1, %get3A_1 : vector<1024x256xf32>
    %reduce_sum3A = arith.constant dense<0.000000e+00> : vector<1024xf32>
    %reduce_sum3A_2 = vector.multi_reduction <add>, %mul3A, %reduce_sum3A [1] : vector<1024x256xf32> to vector<1024xf32>
    %broadcast_in_dim3A = vector.shape_cast %reduce_sum3A_2 : vector<1024xf32> to vector<1024x1xf32>
    %sqrt3A = math.sqrt %broadcast_in_dim3A : vector<1024x1xf32>
    %max3A = arith.constant 9.99999996E-13 : f32
    %max3A_3 = vector.broadcast %max3A : f32 to vector<1024x1xf32>
    %max3A_4 = arith.maximumf %sqrt3A, %max3A_3 : vector<1024x1xf32>
    %mul3A_5 = arith.constant 5.000000e-02 : f32
    %mul3A_6 = vector.broadcast %mul3A_5 : f32 to vector<1024x1xf32>
    %mul3A_7 = arith.mulf %max3A_4, %mul3A_6 : vector<1024x1xf32>
    %div3A = arith.constant 1.44269502 : f32
    %div3A_8 = vector.broadcast %div3A : f32 to vector<1024x1xf32>
    %div3A_9 = arith.divf %div3A_8, %mul3A_7 : vector<1024x1xf32>
    %mul3A_10 = vector.broadcast %div3A_9 : vector<1024x1xf32> to vector<1024x256xf32>
    %mul3A_11 = arith.mulf %get3A_1, %mul3A_10 : vector<1024x256xf32>
    %get3A_12 = arith.constant 0 : index
    %get3A_13 = arith.constant 0 : index
    %get3A_14 = vector.load %arg2[%get3A_12, %get3A_13] : memref<16384x256xf32, #tpu.memory_space<vmem>>, vector<8192x256xf32>
    %dot_general3A = arith.constant dense<0.000000e+00> : vector<1024x8192xf32>
    %dot_general3A_15 = tpu.matmul %mul3A_11, %get3A_14, %dot_general3A {dimension_numbers = #tpu.dot_dimension_numbers<[1], [1], [0], [0], [0, 0, 1, 0], [], []>, transpose_lhs_hint = false} : vector<1024x256xf32>, vector<8192x256xf32>, vector<1024x8192xf32> -> vector<1024x8192xf32>
    %exp23A = math.exp2 %dot_general3A_15 : vector<1024x8192xf32>
    %reduce_sum3A_16 = arith.constant dense<0.000000e+00> : vector<1024xf32>
    %reduce_sum3A_17 = vector.multi_reduction <add>, %exp23A, %reduce_sum3A_16 [1] : vector<1024x8192xf32> to vector<1024xf32>
    %get3A_18 = arith.constant 8192 : index
    %get3A_19 = arith.constant 0 : index
    %get3A_20 = vector.load %arg2[%get3A_18, %get3A_19] : memref<16384x256xf32, #tpu.memory_space<vmem>>, vector<8192x256xf32>
    %dot_general3A_21 = arith.constant dense<0.000000e+00> : vector<1024x8192xf32>
    %dot_general3A_22 = tpu.matmul %mul3A_11, %get3A_20, %dot_general3A_21 {dimension_numbers = #tpu.dot_dimension_numbers<[1], [1], [0], [0], [0, 0, 1, 0], [], []>, transpose_lhs_hint = false} : vector<1024x256xf32>, vector<8192x256xf32>, vector<1024x8192xf32> -> vector<1024x8192xf32>
    %exp23A_23 = math.exp2 %dot_general3A_22 : vector<1024x8192xf32>
    %reduce_sum3A_24 = arith.constant dense<0.000000e+00> : vector<1024xf32>
    %reduce_sum3A_25 = vector.multi_reduction <add>, %exp23A_23, %reduce_sum3A_24 [1] : vector<1024x8192xf32> to vector<1024xf32>
    %log3A = math.log %reduce_sum3A_17 : vector<1024xf32>
    %log3A_26 = arith.constant 2.000000e+00 : f32
    %log3A_27 = math.log %log3A_26 : f32
    %div3A_28 = vector.broadcast %log3A_27 : f32 to vector<1024xf32>
    %div3A_29 = arith.divf %log3A, %div3A_28 : vector<1024xf32>
    %log3A_30 = math.log %reduce_sum3A_25 : vector<1024xf32>
    %log3A_31 = arith.constant 2.000000e+00 : f32
    %log3A_32 = math.log %log3A_31 : f32
    %div3A_33 = vector.broadcast %log3A_32 : f32 to vector<1024xf32>
    %div3A_34 = arith.divf %log3A_30, %div3A_33 : vector<1024xf32>
    %add3A = arith.addf %div3A_29, %div3A_34 : vector<1024xf32>
    %mul3A_35 = arith.constant 0.346573591 : f32
    %mul3A_36 = vector.broadcast %mul3A_35 : f32 to vector<1024xf32>
    %mul3A_37 = arith.mulf %mul3A_36, %add3A : vector<1024xf32>
    %swap3A = arith.constant 0 : index
    %swap3A_38 = arith.constant 0 : index
    %swap3A_39 = vector.load %arg3[%swap3A, %swap3A_38] : memref<1024x1xf32, #tpu.memory_space<vmem>>, vector<1024x1xf32>
    %swap3A_40 = vector.shape_cast %swap3A_39 : vector<1024x1xf32> to vector<1024xf32>
    %swap3A_41 = vector.shape_cast %mul3A_37 : vector<1024xf32> to vector<1024x1xf32>
    tpu.vector_store %arg3[%swap3A, %swap3A_38], %swap3A_41 {strides = array<i32>} : memref<1024x1xf32, #tpu.memory_space<vmem>>, vector<1024x1xf32>,
    %squeeze3A = vector.shape_cast %max3A_4 : vector<1024x1xf32> to vector<1024xf32>
    %mul3A_42 = arith.constant 5.000000e-02 : f32
    %mul3A_43 = vector.broadcast %mul3A_42 : f32 to vector<1024xf32>
    %mul3A_44 = arith.mulf %squeeze3A, %mul3A_43 : vector<1024xf32>
    %div3A_45 = arith.constant 5.000000e-01 : f32
    %div3A_46 = vector.broadcast %div3A_45 : f32 to vector<1024xf32>
    %div3A_47 = arith.divf %div3A_46, %mul3A_44 : vector<1024xf32>
    %swap3A_48 = arith.constant 0 : index
    %swap3A_49 = arith.constant 0 : index
    %swap3A_50 = vector.load %arg4[%swap3A_48, %swap3A_49] : memref<1024x1xf32, #tpu.memory_space<vmem>>, vector<1024x1xf32>
    %swap3A_51 = vector.shape_cast %swap3A_50 : vector<1024x1xf32> to vector<1024xf32>
    %swap3A_52 = vector.shape_cast %div3A_47 : vector<1024xf32> to vector<1024x1xf32>
    tpu.vector_store %arg4[%swap3A_48, %swap3A_49], %swap3A_52 {strides = array<i32>} : memref<1024x1xf32, #tpu.memory_space<vmem>>, vector<1024x1xf32>,
    return
  }
  func.func @transform_0(%arg0: i32) -> (i32, i32) {
    %c0_i32 = arith.constant 0 : i32
    %c0_i32_0 = arith.constant 0 : i32
    return %arg0, %c0_i32 : i32, i32
  }
  func.func @transform_1(%arg0: i32) -> (i32, i32) {
    %c0_i32 = arith.constant 0 : i32
    %c0_i32_0 = arith.constant 0 : i32
    %c0_i32_1 = arith.constant 0 : i32
    return %c0_i32, %c0_i32_0 : i32, i32
  }
  func.func @transform_2(%arg0: i32) -> (i32, i32) {
    %c0_i32 = arith.constant 0 : i32
    %c0_i32_0 = arith.constant 0 : i32
    return %arg0, %c0_i32 : i32, i32
  }
  func.func @transform_3(%arg0: i32) -> (i32, i32) {
    %c0_i32 = arith.constant 0 : i32
    %c0_i32_0 = arith.constant 0 : i32
    return %arg0, %c0_i32 : i32, i32
  }
}

</mosaic_0001>

<sc_bundles>
// kernel: _run.4.cloned.1.call-start
scs
__scs_entry_jumppad:
0x0: {  	(pc) =	sbr.rel $0x88, $3  }
0x1: {  	(tag) =	ssettag $0x0;
	lr =	simm.s32 $0x1  }
0x2: {  	[smem:$0x3F9E] =	sst lr;
	_ =	strace $0xD0000000  }
0x3: {  	_ = 	snop  }
0x4: {  	_ = 	snop  }
0x5: {  	_ = 	snop  }
0x6: {  	_ = 	snop  }
0x7: {  	_ = 	snop  }
__scs_overlays_trampoline_lowered:
0x8: {  	[smem:$0x3FAD] =	sst s0  }
0x9: {  	[smem:$0x3FAE] =	sst s1  }
0xa: {  	[smem:$0x3FAF] =	sst s2  }
0xb: {  	[smem:$0x3FB0] =	sst s3  }
0xc: {  	[smem:$0x3FB1] =	sst s4  }
0xd: {  	[smem:$0x3FB2] =	sst s5  }
0xe: {  	[smem:$0x3FB3] =	sst s6  }
0xf: {  	[smem:$0x3FB4] =	sst s7  }
0x10: {  	[smem:$0x3FB5] =	sst s8  }
0x11: {  	[smem:$0x3FB6] =	sst s9;
	s0 =	simm.s32 @!p0 $0x0  }
0x12: {  	s1 =	sld [smem:$0x3F9C];
	s0 =	simm.s32 @p0 $0x1  }
0x13: {  	[smem:$0x3FB7] =	sst s0;
	s0 =	simm.s32 @!p1 $0x0  }
0x14: {  	s2 =	sld [smem:$0x3F9B];
	s0 =	simm.s32 @p1 $0x1  }
0x15: {  	[smem:$0x3FB8] =	sst s0;
	s0 =	simm.s32 @!p2 $0x0  }
0x16: {  	s3 =	sld [smem:$0x3FDB];
	s0 =	simm.s32 @p2 $0x1  }
0x17: {  	s4 =	simm.s32 $0x1BF5;
	[smem:$0x3FBA] =	sst s0  }
0x18: {  	s0 =	sld [smem:$0x3F9D];
	_ =	swait.ge [sflag:s4], $0x0  }
0x19: {  	s7 =	sld [smem:$0x3F9E]  }
0x1a: {  	s8 =	sadd.s32 $0xFFFFE003, lr  }
0x1b: {  	s9 =	sadd.s32 $0xFFFFFEF7, lr;
	s5 =	simm.s32 $0xFFFFFFFF;
	p2 =	slt.u32 s8, $0xFFFFF086  }
0x1c: {  	p1 =	slt.u32 s9, $0xF7A;
	s5 =	simm.s32 @!p2 $0x0  }
0x1d: {  	s5 =	simm.s32 @p1 $0x1;
	p0 =	seq.s32 s7, s2  }
0x1e: {  	s7 =	smul.u32 @!p0 $0xF7A, s2;
	p2 =	seq.s32 @!p0 s5, $0x0  }
0x1f: {  	s9 =	smul.u32 $0xF7A, s1;
	s8 =	simm.s32 @!p0 $0x1BF5;
	p2 =	por !p2, p0  }
0x20: {  	[sflag:s8] =	ssyncset.s32 @!p0 $0xFFFFF086;
	s6 =	sadd.s32 @!p0 s3, s7;
	s7 =	simm.s32 @!p0 $0x108  }
0x21: {  	s3 =	sadd.s32 s3, s9;
	s6 =	sadd.s32 @!p0 $0x88, s6;
	s7 =	simm.s32 @p2 $0x1082  }
0x22: {  	[simem:s7], [sflag:s8] =	dma.local @!p0 [hbm:s6], $0xF7A  }
0x23: {  	s9 =	sor.u32 $0xD0000000, s2;
	s6 =	simm.s32 $0x108;
	_ =	swait.ge @!p0 [sflag:s8], $0x0  }
0x24: {  	s3 =	sadd.s32 $0x88, s3;
	s6 =	simm.s32 @!p1 $0x1082;
	[sflag:s4] =	ssyncset.s32 $0xFFFFF086  }
0x25: {  	[simem:s6], [sflag:s4] =	dma.local [hbm:s3], $0xF7A  }
0x26: {  	[smem:$0x3F9E] =	sst s1;
	(tag) =	ssettag s2;
	_ =	strace s9  }
0x27: {  	s1 =	sld [smem:$0x3FAE]  }
0x28: {  	s2 =	sld [smem:$0x3FAF]  }
0x29: {  	s4 =	sld [smem:$0x3FB1]  }
0x2a: {  	p0 =	seq.s32 s5, $0x0;
	s5 =	sld [smem:$0x3FB2]  }
0x2b: {  	s6 =	sld [smem:$0x3FB3]  }
0x2c: {  	s7 =	sld [smem:$0x3FB4]  }
0x2d: {  	s3 =	simm.s32 $0x108;
	s8 =	sld [smem:$0x3FB5]  }
0x2e: {  	s3 =	simm.s32 @!p0 $0x1082;
	s9 =	sld [smem:$0x3FB6]  }
0x2f: {  	lr =	sadd.s32 s0, s3;
	s0 =	sld [smem:$0x3FAD]  }
0x30: {  	s3 =	sld [smem:$0x3FB0]  }
0x31: {  	[smem:$0x3FB9] =	sst s10  }
0x32: {  	s10 =	sld [smem:$0x3FB7];
	_ =	sdelay $0x3  }
0x33: {  	p0 =	seq.s32 s10, $0x1;
	s10 =	sld [smem:$0x3FB9];
	_ =	sdelay $0x3  }
0x34: {  	[smem:$0x3FB9] =	sst s10  }
0x35: {  	s10 =	sld [smem:$0x3FB8];
	_ =	sdelay $0x3  }
0x36: {  	p1 =	seq.s32 s10, $0x1;
	s10 =	sld [smem:$0x3FB9];
	_ =	sdelay $0x3  }
0x37: {  	[smem:$0x3FB9] =	sst s10  }
0x38: {  	s10 =	sld [smem:$0x3FBA]  }
0x39: {  	_ = 	snop;
	(pc) =	sbr.ind lr, $3  }
0x3a: {  	_ = 	snop  }
0x3b: {  	_ = 	snop  }
0x3c: {  	p2 =	seq.s32 s10, $0x1;
	s10 =	sld [smem:$0x3FB9]  }
0x3d: {  	_ =	shalt  }
0x3e: {  	_ =	shalt  }
0x3f: {  	_ =	shalt  }
0x40: {  	_ =	shalt  }
0x41: {  	_ =	shalt  }
0x42: {  	_ =	shalt  }
0x43: {  	_ =	shalt  }
0x44: {  	_ =	shalt  }
0x45: {  	_ =	shalt  }
0x46: {  	_ =	shalt  }
0x47: {  	_ =	shalt  }
0x48: {  	_ =	shalt  }
0x49: {  	_ =	shalt  }
0x4a: {  	_ =	shalt  }
0x4b: {  	_ =	shalt  }
0x4c: {  	_ =	shalt  }
0x4d: {  	_ =	shalt  }
0x4e: {  	_ =	shalt  }
0x4f: {  	_ =	shalt  }
0x50: {  	_ =	shalt  }
0x51: {  	_ =	shalt  }
0x52: {  	_ =	shalt  }
0x53: {  	_ =	shalt  }
0x54: {  	_ =	shalt  }
0x55: {  	_ =	shalt  }
0x56: {  	_ =	shalt  }
0x57: {  	_ =	shalt  }
0x58: {  	_ =	shalt  }
0x59: {  	_ =	shalt  }
0x5a: {  	_ =	shalt  }
0x5b: {  	_ =	shalt  }
0x5c: {  	_ =	shalt  }
0x5d: {  	_ =	shalt  }
0x5e: {  	_ =	shalt  }
0x5f: {  	_ =	shalt  }
0x60: {  	_ =	shalt  }
0x61: {  	_ =	shalt  }
0x62: {  	_ =	shalt  }
0x63: {  	_ =	shalt  }
0x64: {  	_ =	shalt  }
0x65: {  	_ =	shalt  }
0x66: {  	_ =	shalt  }
0x67: {  	_ =	shalt  }
0x68: {  	_ =	shalt  }
0x69: {  	_ =	shalt  }
0x6a: {  	_ =	shalt  }
0x6b: {  	_ =	shalt  }
0x6c: {  	_ =	shalt  }
0x6d: {  	_ =	shalt  }
0x6e: {  	_ =	shalt  }
0x6f: {  	_ =	shalt  }
0x70: {  	_ =	shalt  }
0x71: {  	_ =	shalt  }
0x72: {  	_ =	shalt  }
0x73: {  	_ =	shalt  }
0x74: {  	_ =	shalt  }
0x75: {  	_ =	shalt  }
0x76: {  	_ =	shalt  }
0x77: {  	_ =	shalt  }
0x78: {  	_ =	shalt  }
0x79: {  	_ =	shalt  }
0x7a: {  	_ =	shalt  }
0x7b: {  	_ =	shalt  }
0x7c: {  	_ =	shalt  }
0x7d: {  	_ =	shalt  }
0x7e: {  	_ =	shalt  }
0x7f: {  	_ =	shalt  }
0x80: {  	_ =	shalt  }
0x81: {  	_ =	shalt  }
0x82: {  	_ =	shalt  }
0x83: {  	_ =	shalt  }
0x84: {  	_ =	shalt  }
0x85: {  	_ =	shalt  }
0x86: {  	_ =	shalt  }
0x87: {  	_ =	shalt  }
.Lfunc_end0:
.L_simem_size_0:
called_computation_lowered:
.L_overlay_start_0:
0x88: {  	s2 =	sld [smem:$0x3FD9]  }
0x89: {  	s3 =	sld [smem:$0x3FFE];
	_ =	sdelay $0x1  }
0x8a: {  	s1 =	srdreg.scid  }
0x8b: {  	s0 =	sand.u32 $0x1, s1  }
0x8c: {  	s17 =	sshll.u32 s0, $0xA;
	s2 =	sadd.s32 s3, s2  }
0x8d: {  	s2 =	sadd.s32 s2, s17  }
0x8e: {  	[smem:$0x3FC5] =	sst s2  }
0x8f: {  	_ = 	snop  }
0x90: {  	s2 =	sld [smem:$0x3FC9]  }
0x91: {  	s18 =	sld [smem:$0x3FC8]  }
0x92: {  	s4 =	sld [smem:$0x3FC7];
	(tm) =	ssettm $0x1  }
0x93: {  	s5 =	sld [smem:$0x3FFB];
	_ =	sdelay $0x3  }
0x94: {  	_ =	strace s5  }
0x95: {  	s5 =	sld [smem:$0x3FFC];
	_ =	sdelay $0x3  }
0x96: {  	_ =	strace s5  }
0x97: {  	s5 =	sld [smem:$0x3FFD];
	_ =	sdelay $0x3  }
0x98: {  	_ =	strace s5  }
0x99: {  	_ =	strace $0x8FFFFFFF  }
0x9a: {  	s19 =	sld [smem:$0x3FDB];
	_ =	sdelay $0x1  }
0x9b: {  	s6 =	simm.s32 $_scs_section_size  }
0x9c: {  	s7 =	simm.s32 $_size__tile_overlayer_lowered;
	s8 =	simm.s32 $_tile_overlayer_lowered  }
0x9d: {  	s22 =	simm.s32 $0x1BFF;
	s21 =	sshll.u32 s8, $0x1;
	s5 =	sadd.s32 s6, s19  }
0x9e: {  	s9 =	simm.s32 $0x0;
	s20 =	sshll.u32 s7, $0x1;
	s7 =	sadd.s32 s21, s5  }
0x9f: {  	[timem:s9], [sflag:s22] =	dma.local [hbm:s7], s20  }
0xa0: {  	_ =	swait.ge [sflag:s22], s20  }
0xa1: {  	s6 =	ssub.s32 $0x0, s20;
	[sflag:s22] =	ssyncset.done $0x0  }
0xa2: {  	[sflag:s22] =	ssyncadd.s32 s6;
	_ =	sdelay $0x1  }
0xa3: {  	s23 =	simm.s32 $0x1B8B  }
0xa4: {  	_ =	swait.ge [sflag:s23], $0x1  }
0xa5: {  	[sflag:s23] =	ssyncset.done $0x0  }
0xa6: {  	s25 =	simm.s32 $0x1B8E;
	s24 =	sld [smem:$0x3FFE];
	[sflag:s23] =	ssyncadd.s32 $0xFFFFFFFF  }
0xa7: {  	s26 =	simm.s32 $execute0_lowered;
	[smem:$0x3FD2] =	sst s25  }
0xa8: {  	s7 =	sshll.u32 s26, $0x1;
	_ =	strace $0x80000046;
	[dreg:$0x1] =	wrdreg $0xFFFFFFFF  }
0xa9: {  	s28 =	simm.s32 $_size_execute0_lowered;
	s5 =	sadd.s32 s5, s7;
	[dreg:$0x0] =	wrdreg $0x0  }
0xaa: {  	s7 =	sshll.u32 s28, $0x1;
	[dreg:$0x2] =	wrdreg s5  }
0xab: {  	[dreg:$0x3] =	wrdreg s7  }
0xac: {  	[dreg:$0x4] =	wrdreg $0xC0  }
0xad: {  	_ =	task [dreg:s9], $0x5FFFF  }
0xae: {  	[dreg:$0x1] =	wrdreg $0xFFFFFFFF  }
0xaf: {  	[dreg:$0x0] =	wrdreg $0x60  }
0xb0: {  	[dreg:$0x2] =	wrdreg s2  }
0xb1: {  	[dreg:$0x3] =	wrdreg s18  }
0xb2: {  	[dreg:$0x4] =	wrdreg s4  }
0xb3: {  	[dreg:$0x5] =	wrdreg s24  }
0xb4: {  	[dreg:$0x6] =	wrdreg $0x9  }
0xb5: {  	_ =	task.clear_ibuf [dreg:s9], $0x7FFFF;
	_ =	strace $0x90000046  }
0xb6: {  	s29 =	simm.s32 $0x9;
	_ =	strace $0x80000048  }
0xb7: {  	_ =	swait.ge [sflag:s29], $0x1  }
0xb8: {  	[sflag:s29] =	ssyncadd.s32 $0xFFFFFFFF  }
0xb9: {  	_ =	strace $0x90000048  }
0xba: {  	_ =	sfence  }
0xbb: {  	s30 =	sld [smem:$0x0];
	_ =	sdelay $0x2  }
0xbc: {  	s31 =	sshll.u32 s1, $0xD;
	s1 =	sshrl.u32 s1, $0x2  }
0xbd: {  	s3 =	sand.u32 $0x4000, s31;
	s1 =	sadd.s32 s1, s30  }
0xbe: {  	s0 =	sor.u32 s3, s0;
	s1 =	sshll.u32 s1, $0x11  }
0xbf: {  	s0 =	sor.u32 s1, s0  }
0xc0: {  	s0 =	sadd.s32 $0x8F2B, s0  }
0xc1: {  	[sflag:s0] =	ssyncadd.remote.s32 $0x1  }
0xc2: {  	_ =	sfence.sel $0xFFFF  }
0xc3: {  	[dreg:$0x0] =	wrdreg $0xFFFFFFFF;
	(pc) =	sbr.abs _section_cstart, $3  }
0xc4: {  	[dreg:$0x1] =	wrdreg $0xFFFFFFFF  }
0xc5: {  	_ =	task.clear_ibuf [dreg:s9], $0x2FFFF;
	_ =	strace $0x9FFFFFFF  }
0xc6: {  	(tm) =	ssettm $0x7FFFFFFF  }
0xc7: {  	_ =	shalt  }
tec
execute0_lowered:
.L_overlay_start_1:
0x0: {  	(tag) =	ssettag $0x1  }
0x1: {  	s0 =	rddreg [dreg:$0x0]  }
0x2: {  	s2 =	rddreg [dreg:$0x1]  }
0x3: {  	s1 =	rddreg [dreg:$0x2]  }
0x4: {  	s5 =	rddreg [dreg:$0x3];
	s3 =	simm.s32 $0x0;
	s4 =	srdreg.scid  }
0x5: {  	s9 =	stileid.u32;
	s29 =	simm.s32 $0x11100;
	s30 =	simm.s32 $0x11900  }
0x6: {  	s31 =	simm.s32 $0x12100;
	s10 =	simm.s32 $0x14100;
	s11 =	simm.s32 $0x14900  }
0x7: {  	s12 =	simm.s32 $0x15100;
	s13 =	simm.s32 $0x15900;
	s14 =	simm.s32 $0x16100  }
0x8: {  	s15 =	simm.s32 $0x16900;
	s16 =	simm.s32 $0x17100;
	s17 =	simm.s32 $0x17900  }
0x9: {  	s18 =	simm.s32 $0x1;
	s19 =	simm.s32 $0x80;
	s20 =	simm.s32 $0x400  }
0xa: {  	s21 =	simm.s32 $0x18100;
	s22 =	simm.s32 $0x0;
	[smem:$0x7FF] =	sst s3  }
0xb: {  	s4 =	sand.u32 $0x1, s4;
	s6 =	sshll.u32 s9, $0x1;
	s9 =	sshll.u32 s9, $0x9  }
0xc: {  	_ =	strace $0x80000047;
	s7 =	ssub.s32 $0x2, s4;
	s6 =	sor.u32 s4, s6  }
0xd: {  	s28 =	sand.u32 $0x1800, s9;
	s9 =	simm.s32 $0x13900;
	s26 =	sshrl.u32 s7, $0x1  }
0xe: {  	s8 =	sshll.u32 s6, $0x4;
	s6 =	sshll.u32 s6, $0xC;
	s7 =	ssub.s32 s7, s26  }
0xf: {  	v2 =	vlaneseq.u32;
	s4 =	sadd.s32 s2, s8;
	s8 =	sand.u32 $0x70, s8;
	s2 =	sadd.s32 s5, s28  }
0x10: {  	vm0 =	vmmov $0xffff;
	v1 =	vshrl.u32 v2, $0x3;
	s5 =	sadd.s32 s0, s6;
	s0 =	simm.s32 $0x12900;
	s6 =	sadd.s32 s8, s2  }
0x11: {  	v0 =	vand.u32 $0x7, v2;
	v2 =	vor.u32 $0x8, v2;
	v1 =	vmul.u32 $0x8, v1;
	s7 =	smax.u32 s7, $0x1;
	s8 =	simm.s32 $0x2;
	s2 =	simm.s32 $0x13100  }
.LBB2_1:
0x12: {  	[tilespmem:s3], [sflag:$0x2] =	stream.linear.gather [hbm4b:s4+s3], $0x80, $0x38;
	[tilespmem:$0x18900] =	vst v63  }
0x13: {  	_ =	swait.ge [sflag:s8], $0x80  }
0x14: {  	[sflag:s8] =	ssyncset.done $0x0  }
0x15: {  	s23 =	simm.s32 $0x100;
	[sflag:s8] =	ssyncadd.s32 $0xFFFFFF80  }
0x16: {  	[tilespmem:s23], [sflag:$0x2] =	stream.linear.gather [hbm4b:s5+s3], $0x8000, $0x38;
	[tilespmem:$0x18900] =	vst v63  }
0x17: {  	_ =	swait.ge [sflag:s8], $0x8000  }
0x18: {  	[sflag:s8] =	ssyncset.done $0x0  }
0x19: {  	[sflag:s8] =	ssyncadd.s32 $0xFFFF8000  }
0x1a: {  	v3 =	vld [tilespmem:$0x0]  }
0x1b: {  	v4 =	vld [tilespmem:$0x0]  }
0x1c: {  	v5 =	vld [tilespmem:$0x10]  }
0x1d: {  	v6 =	vld [tilespmem:$0x20]  }
0x1e: {  	v7 =	vld [tilespmem:$0x30]  }
0x1f: {  	v8 =	vld [tilespmem:$0x40];
	v9 =	vshll.u32 v3, $0x1  }
0x20: {  	v10 =	vld [tilespmem:$0x50];
	v4 =	vadd.s32 $0x2000, v4;
	v3 =	vand.u32 $0x7, v3;
	v9 =	vand.u32 $0xFFFFFFF0, v9  }
0x21: {  	[tilespmem:$0x80] =	vst v4;
	v4 =	vadd.s32 $0x2000, v5;
	v5 =	vld [tilespmem:$0x60];
	v3 =	vor.u32 v3, v9  }
0x22: {  	[tilespmem:$0x90] =	vst v4;
	v4 =	vadd.s32 $0x2000, v6;
	v6 =	vld [tilespmem:$0x70];
	v9 =	vperm.xlane v3, v0  }
0x23: {  	[tilespmem:$0xA0] =	vst v4;
	v4 =	vadd.s32 $0x2000, v7  }
0x24: {  	v3 =	vperm.xlane v3, v2;
	[tilespmem:$0xB0] =	vst v4;
	v4 =	vadd.s32 $0x2000, v8;
	v7 =	vadd.s32 v1, v9  }
0x25: {  	[tilespmem:$0xC0] =	vst v4;
	v4 =	vadd.s32 $0x2000, v10  }
0x26: {  	v3 =	vadd.s32 v1, v3;
	[tilespmem:$0xD0] =	vst v4;
	v4 =	vadd.s32 $0x2000, v5  }
0x27: {  	[tilespmem:$0xE0] =	vst v4;
	v4 =	vadd.s32 $0x2000, v6  }
0x28: {  	s28 =	simm.s32 $0x8100;
	[tilespmem:$0xF0] =	vst v4  }
0x29: {  	[tilespmem:s28], [sflag:$0x1] =	stream.indirect_vreg.gather [hbm4b:s1+s3], $0x80, v7, vm0, $0xb8;
	[tilespmem:$0x18900] =	vst v63  }
0x2a: {  	s24 =	simm.s32 $0x8900  }
0x2b: {  	[tilespmem:s24], [sflag:$0x1] =	stream.indirect_vreg.gather [hbm4b:s1+s3], $0x80, v3, vm0, $0xb8;
	[tilespmem:$0x18900] =	vst v63  }
0x2c: {  	v3 =	vld [tilespmem:$0x10];
	_ =	sdelay $0x4  }
0x2d: {  	v4 =	vshll.u32 v3, $0x1  }
0x2e: {  	v3 =	vand.u32 $0x7, v3;
	v4 =	vand.u32 $0xFFFFFFF0, v4  }
0x2f: {  	v3 =	vor.u32 v3, v4  }
0x30: {  	v4 =	vperm.xlane v3, v0;
	_ =	sdelay $0x1  }
0x31: {  	v3 =	vperm.xlane v3, v2;
	v4 =	vadd.s32 v1, v4;
	_ =	sdelay $0x1  }
0x32: {  	v3 =	vadd.s32 v1, v3;
	_ =	sdelay $0x1  }
0x33: {  	s25 =	simm.s32 $0x9100  }
0x34: {  	[tilespmem:s25], [sflag:$0x1] =	stream.indirect_vreg.gather [hbm4b:s1+s3], $0x80, v4, vm0, $0xb8;
	[tilespmem:$0x18900] =	vst v63  }
0x35: {  	s26 =	simm.s32 $0x9900  }
0x36: {  	[tilespmem:s26], [sflag:$0x1] =	stream.indirect_vreg.gather [hbm4b:s1+s3], $0x80, v3, vm0, $0xb8;
	[tilespmem:$0x18900] =	vst v63  }
0x37: {  	v3 =	vld [tilespmem:$0x20];
	_ =	sdelay $0x4  }
0x38: {  	v4 =	vshll.u32 v3, $0x1  }
0x39: {  	v3 =	vand.u32 $0x7, v3;
	v4 =	vand.u32 $0xFFFFFFF0, v4  }
0x3a: {  	v3 =	vor.u32 v3, v4  }
0x3b: {  	v4 =	vperm.xlane v3, v0;
	_ =	sdelay $0x1  }
0x3c: {  	v3 =	vperm.xlane v3, v2;
	v4 =	vadd.s32 v1, v4;
	_ =	sdelay $0x1  }
0x3d: {  	v3 =	vadd.s32 v1, v3;
	_ =	sdelay $0x1  }
0x3e: {  	s28 =	simm.s32 $0xA100  }
0x3f: {  	[tilespmem:s28], [sflag:$0x1] =	stream.indirect_vreg.gather [hbm4b:s1+s3], $0x80, v4, vm0, $0xb8;
	[tilespmem:$0x18900] =	vst v63  }
0x40: {  	s24 =	simm.s32 $0xA900  }
0x41: {  	[tilespmem:s24], [sflag:$0x1] =	stream.indirect_vreg.gather [hbm4b:s1+s3], $0x80, v3, vm0, $0xb8;
	[tilespmem:$0x18900] =	vst v63  }
0x42: {  	v3 =	vld [tilespmem:$0x30];
	_ =	sdelay $0x4  }
0x43: {  	v4 =	vshll.u32 v3, $0x1  }
0x44: {  	v3 =	vand.u32 $0x7, v3;
	v4 =	vand.u32 $0xFFFFFFF0, v4  }
0x45: {  	v3 =	vor.u32 v3, v4  }
0x46: {  	v4 =	vperm.xlane v3, v0;
	_ =	sdelay $0x1  }
0x47: {  	v3 =	vperm.xlane v3, v2;
	v4 =	vadd.s32 v1, v4;
	_ =	sdelay $0x1  }
0x48: {  	v3 =	vadd.s32 v1, v3;
	_ =	sdelay $0x1  }
0x49: {  	s25 =	simm.s32 $0xB100  }
0x4a: {  	[tilespmem:s25], [sflag:$0x1] =	stream.indirect_vreg.gather [hbm4b:s1+s3], $0x80, v4, vm0, $0xb8;
	[tilespmem:$0x18900] =	vst v63  }
0x4b: {  	s26 =	simm.s32 $0xB900  }
0x4c: {  	[tilespmem:s26], [sflag:$0x1] =	stream.indirect_vreg.gather [hbm4b:s1+s3], $0x80, v3, vm0, $0xb8;
	[tilespmem:$0x18900] =	vst v63  }
0x4d: {  	v3 =	vld [tilespmem:$0x40];
	_ =	sdelay $0x4  }
0x4e: {  	v4 =	vshll.u32 v3, $0x1  }
0x4f: {  	v3 =	vand.u32 $0x7, v3;
	v4 =	vand.u32 $0xFFFFFFF0, v4  }
0x50: {  	v3 =	vor.u32 v3, v4  }
0x51: {  	v4 =	vperm.xlane v3, v0;
	_ =	sdelay $0x1  }
0x52: {  	v3 =	vperm.xlane v3, v2;
	v4 =	vadd.s32 v1, v4;
	_ =	sdelay $0x1  }
0x53: {  	v3 =	vadd.s32 v1, v3;
	_ =	sdelay $0x1  }
0x54: {  	s28 =	simm.s32 $0xC100  }
0x55: {  	[tilespmem:s28], [sflag:$0x1] =	stream.indirect_vreg.gather [hbm4b:s1+s3], $0x80, v4, vm0, $0xb8;
	[tilespmem:$0x18900] =	vst v63  }
0x56: {  	s24 =	simm.s32 $0xC900  }
0x57: {  	[tilespmem:s24], [sflag:$0x1] =	stream.indirect_vreg.gather [hbm4b:s1+s3], $0x80, v3, vm0, $0xb8;
	[tilespmem:$0x18900] =	vst v63  }
0x58: {  	v3 =	vld [tilespmem:$0x50];
	_ =	sdelay $0x4  }
0x59: {  	v4 =	vshll.u32 v3, $0x1  }
0x5a: {  	v3 =	vand.u32 $0x7, v3;
	v4 =	vand.u32 $0xFFFFFFF0, v4  }
0x5b: {  	v3 =	vor.u32 v3, v4  }
0x5c: {  	v4 =	vperm.xlane v3, v0;
	_ =	sdelay $0x1  }
0x5d: {  	v3 =	vperm.xlane v3, v2;
	v4 =	vadd.s32 v1, v4;
	_ =	sdelay $0x1  }
0x5e: {  	v3 =	vadd.s32 v1, v3;
	_ =	sdelay $0x1  }
0x5f: {  	s25 =	simm.s32 $0xD100  }
0x60: {  	[tilespmem:s25], [sflag:$0x1] =	stream.indirect_vreg.gather [hbm4b:s1+s3], $0x80, v4, vm0, $0xb8;
	[tilespmem:$0x18900] =	vst v63  }
0x61: {  	s26 =	simm.s32 $0xD900  }
0x62: {  	[tilespmem:s26], [sflag:$0x1] =	stream.indirect_vreg.gather [hbm4b:s1+s3], $0x80, v3, vm0, $0xb8;
	[tilespmem:$0x18900] =	vst v63  }
0x63: {  	v3 =	vld [tilespmem:$0x60];
	_ =	sdelay $0x4  }
0x64: {  	v4 =	vshll.u32 v3, $0x1  }
0x65: {  	v3 =	vand.u32 $0x7, v3;
	v4 =	vand.u32 $0xFFFFFFF0, v4  }
0x66: {  	v3 =	vor.u32 v3, v4  }
0x67: {  	v4 =	vperm.xlane v3, v0;
	_ =	sdelay $0x1  }
0x68: {  	v3 =	vperm.xlane v3, v2;
	v4 =	vadd.s32 v1, v4;
	_ =	sdelay $0x1  }
0x69: {  	v3 =	vadd.s32 v1, v3;
	_ =	sdelay $0x1  }
0x6a: {  	s28 =	simm.s32 $0xE100  }
0x6b: {  	[tilespmem:s28], [sflag:$0x1] =	stream.indirect_vreg.gather [hbm4b:s1+s3], $0x80, v4, vm0, $0xb8;
	[tilespmem:$0x18900] =	vst v63  }
0x6c: {  	s24 =	simm.s32 $0xE900  }
0x6d: {  	[tilespmem:s24], [sflag:$0x1] =	stream.indirect_vreg.gather [hbm4b:s1+s3], $0x80, v3, vm0, $0xb8;
	[tilespmem:$0x18900] =	vst v63  }
0x6e: {  	v3 =	vld [tilespmem:$0x70];
	_ =	sdelay $0x4  }
0x6f: {  	v4 =	vshll.u32 v3, $0x1  }
0x70: {  	v3 =	vand.u32 $0x7, v3;
	v4 =	vand.u32 $0xFFFFFFF0, v4  }
0x71: {  	v3 =	vor.u32 v3, v4  }
0x72: {  	v4 =	vperm.xlane v3, v0;
	_ =	sdelay $0x1  }
0x73: {  	v3 =	vperm.xlane v3, v2;
	v4 =	vadd.s32 v1, v4;
	_ =	sdelay $0x1  }
0x74: {  	v3 =	vadd.s32 v1, v3;
	_ =	sdelay $0x1  }
0x75: {  	s25 =	simm.s32 $0xF100  }
0x76: {  	[tilespmem:s25], [sflag:$0x1] =	stream.indirect_vreg.gather [hbm4b:s1+s3], $0x80, v4, vm0, $0xb8;
	[tilespmem:$0x18900] =	vst v63  }
0x77: {  	s26 =	simm.s32 $0xF900  }
0x78: {  	[tilespmem:s26], [sflag:$0x1] =	stream.indirect_vreg.gather [hbm4b:s1+s3], $0x80, v3, vm0, $0xb8;
	[tilespmem:$0x18900] =	vst v63  }
0x79: {  	v3 =	vld [tilespmem:$0x80];
	_ =	sdelay $0x4  }
0x7a: {  	v4 =	vshll.u32 v3, $0x1  }
0x7b: {  	v3 =	vand.u32 $0x7, v3;
	v4 =	vand.u32 $0xFFFFFFF0, v4  }
0x7c: {  	v3 =	vor.u32 v3, v4  }
0x7d: {  	v4 =	vperm.xlane v3, v0;
	_ =	sdelay $0x1  }
0x7e: {  	v3 =	vperm.xlane v3, v2;
	v4 =	vadd.s32 v1, v4;
	_ =	sdelay $0x1  }
0x7f: {  	v3 =	vadd.s32 v1, v3;
	_ =	sdelay $0x1  }
0x80: {  	s28 =	simm.s32 $0x10100  }
0x81: {  	[tilespmem:s28], [sflag:$0x1] =	stream.indirect_vreg.gather [hbm4b:s1+s3], $0x80, v4, vm0, $0xb8;
	[tilespmem:$0x18900] =	vst v63  }
0x82: {  	s24 =	simm.s32 $0x10900  }
0x83: {  	[tilespmem:s24], [sflag:$0x1] =	stream.indirect_vreg.gather [hbm4b:s1+s3], $0x80, v3, vm0, $0xb8;
	[tilespmem:$0x18900] =	vst v63  }
0x84: {  	v3 =	vld [tilespmem:$0x90];
	_ =	sdelay $0x4  }
0x85: {  	v4 =	vshll.u32 v3, $0x1  }
0x86: {  	v3 =	vand.u32 $0x7, v3;
	v4 =	vand.u32 $0xFFFFFFF0, v4  }
0x87: {  	v3 =	vor.u32 v3, v4  }
0x88: {  	v4 =	vperm.xlane v3, v0;
	_ =	sdelay $0x1  }
0x89: {  	v3 =	vperm.xlane v3, v2;
	v4 =	vadd.s32 v1, v4;
	_ =	sdelay $0x1  }
0x8a: {  	v3 =	vadd.s32 v1, v3;
	_ =	sdelay $0x2  }
0x8b: {  	[tilespmem:s29], [sflag:$0x1] =	stream.indirect_vreg.gather [hbm4b:s1+s3], $0x80, v4, vm0, $0xb8;
	[tilespmem:$0x18900] =	vst v63  }
0x8c: {  	_ = 	snop  }
0x8d: {  	[tilespmem:s30], [sflag:$0x1] =	stream.indirect_vreg.gather [hbm4b:s1+s3], $0x80, v3, vm0, $0xb8;
	[tilespmem:$0x18900] =	vst v63  }
0x8e: {  	v3 =	vld [tilespmem:$0xA0];
	_ =	sdelay $0x4  }
0x8f: {  	v4 =	vshll.u32 v3, $0x1  }
0x90: {  	v3 =	vand.u32 $0x7, v3;
	v4 =	vand.u32 $0xFFFFFFF0, v4  }
0x91: {  	v3 =	vor.u32 v3, v4  }
0x92: {  	v4 =	vperm.xlane v3, v0;
	_ =	sdelay $0x1  }
0x93: {  	v3 =	vperm.xlane v3, v2;
	v4 =	vadd.s32 v1, v4;
	_ =	sdelay $0x1  }
0x94: {  	v3 =	vadd.s32 v1, v3;
	_ =	sdelay $0x2  }
0x95: {  	[tilespmem:s31], [sflag:$0x1] =	stream.indirect_vreg.gather [hbm4b:s1+s3], $0x80, v4, vm0, $0xb8;
	[tilespmem:$0x18900] =	vst v63  }
0x96: {  	_ = 	snop  }
0x97: {  	[tilespmem:s0], [sflag:$0x1] =	stream.indirect_vreg.gather [hbm4b:s1+s3], $0x80, v3, vm0, $0xb8;
	[tilespmem:$0x18900] =	vst v63  }
0x98: {  	v3 =	vld [tilespmem:$0xB0];
	_ =	sdelay $0x4  }
0x99: {  	v4 =	vshll.u32 v3, $0x1  }
0x9a: {  	v3 =	vand.u32 $0x7, v3;
	v4 =	vand.u32 $0xFFFFFFF0, v4  }
0x9b: {  	v3 =	vor.u32 v3, v4  }
0x9c: {  	v4 =	vperm.xlane v3, v0;
	_ =	sdelay $0x1  }
0x9d: {  	v3 =	vperm.xlane v3, v2;
	v4 =	vadd.s32 v1, v4;
	_ =	sdelay $0x1  }
0x9e: {  	v3 =	vadd.s32 v1, v3;
	_ =	sdelay $0x2  }
0x9f: {  	[tilespmem:s2], [sflag:$0x1] =	stream.indirect_vreg.gather [hbm4b:s1+s3], $0x80, v4, vm0, $0xb8;
	[tilespmem:$0x18900] =	vst v63  }
0xa0: {  	_ = 	snop  }
0xa1: {  	[tilespmem:s9], [sflag:$0x1] =	stream.indirect_vreg.gather [hbm4b:s1+s3], $0x80, v3, vm0, $0xb8;
	[tilespmem:$0x18900] =	vst v63  }
0xa2: {  	v3 =	vld [tilespmem:$0xC0];
	_ =	sdelay $0x4  }
0xa3: {  	v4 =	vshll.u32 v3, $0x1  }
0xa4: {  	v3 =	vand.u32 $0x7, v3;
	v4 =	vand.u32 $0xFFFFFFF0, v4  }
0xa5: {  	v3 =	vor.u32 v3, v4  }
0xa6: {  	v4 =	vperm.xlane v3, v0;
	_ =	sdelay $0x1  }
0xa7: {  	v3 =	vperm.xlane v3, v2;
	v4 =	vadd.s32 v1, v4;
	_ =	sdelay $0x1  }
0xa8: {  	v3 =	vadd.s32 v1, v3;
	_ =	sdelay $0x2  }
0xa9: {  	[tilespmem:s10], [sflag:$0x1] =	stream.indirect_vreg.gather [hbm4b:s1+s3], $0x80, v4, vm0, $0xb8;
	[tilespmem:$0x18900] =	vst v63  }
0xaa: {  	_ = 	snop  }
0xab: {  	[tilespmem:s11], [sflag:$0x1] =	stream.indirect_vreg.gather [hbm4b:s1+s3], $0x80, v3, vm0, $0xb8;
	[tilespmem:$0x18900] =	vst v63  }
0xac: {  	v3 =	vld [tilespmem:$0xD0];
	_ =	sdelay $0x4  }
0xad: {  	v4 =	vshll.u32 v3, $0x1  }
0xae: {  	v3 =	vand.u32 $0x7, v3;
	v4 =	vand.u32 $0xFFFFFFF0, v4  }
0xaf: {  	v3 =	vor.u32 v3, v4  }
0xb0: {  	v4 =	vperm.xlane v3, v0;
	_ =	sdelay $0x1  }
0xb1: {  	v3 =	vperm.xlane v3, v2;
	v4 =	vadd.s32 v1, v4;
	_ =	sdelay $0x1  }
0xb2: {  	v3 =	vadd.s32 v1, v3;
	_ =	sdelay $0x2  }
0xb3: {  	[tilespmem:s12], [sflag:$0x1] =	stream.indirect_vreg.gather [hbm4b:s1+s3], $0x80, v4, vm0, $0xb8;
	[tilespmem:$0x18900] =	vst v63  }
0xb4: {  	_ = 	snop  }
0xb5: {  	[tilespmem:s13], [sflag:$0x1] =	stream.indirect_vreg.gather [hbm4b:s1+s3], $0x80, v3, vm0, $0xb8;
	[tilespmem:$0x18900] =	vst v63  }
0xb6: {  	v3 =	vld [tilespmem:$0xE0];
	_ =	sdelay $0x4  }
0xb7: {  	v4 =	vshll.u32 v3, $0x1  }
0xb8: {  	v3 =	vand.u32 $0x7, v3;
	v4 =	vand.u32 $0xFFFFFFF0, v4  }
0xb9: {  	v3 =	vor.u32 v3, v4  }
0xba: {  	v4 =	vperm.xlane v3, v0;
	_ =	sdelay $0x1  }
0xbb: {  	v3 =	vperm.xlane v3, v2;
	v4 =	vadd.s32 v1, v4;
	_ =	sdelay $0x1  }
0xbc: {  	v3 =	vadd.s32 v1, v3;
	_ =	sdelay $0x2  }
0xbd: {  	[tilespmem:s14], [sflag:$0x1] =	stream.indirect_vreg.gather [hbm4b:s1+s3], $0x80, v4, vm0, $0xb8;
	[tilespmem:$0x18900] =	vst v63  }
0xbe: {  	_ = 	snop  }
0xbf: {  	[tilespmem:s15], [sflag:$0x1] =	stream.indirect_vreg.gather [hbm4b:s1+s3], $0x80, v3, vm0, $0xb8;
	[tilespmem:$0x18900] =	vst v63  }
0xc0: {  	v3 =	vld [tilespmem:$0xF0];
	_ =	sdelay $0x4  }
0xc1: {  	v4 =	vshll.u32 v3, $0x1  }
0xc2: {  	v3 =	vand.u32 $0x7, v3;
	v4 =	vand.u32 $0xFFFFFFF0, v4  }
0xc3: {  	v3 =	vor.u32 v3, v4  }
0xc4: {  	v4 =	vperm.xlane v3, v0;
	_ =	sdelay $0x1  }
0xc5: {  	v3 =	vperm.xlane v3, v2;
	v4 =	vadd.s32 v1, v4;
	_ =	sdelay $0x1  }
0xc6: {  	v3 =	vadd.s32 v1, v3;
	_ =	sdelay $0x2  }
0xc7: {  	[tilespmem:s16], [sflag:$0x1] =	stream.indirect_vreg.gather [hbm4b:s1+s3], $0x80, v4, vm0, $0xb8;
	[tilespmem:$0x18900] =	vst v63  }
0xc8: {  	_ = 	snop  }
0xc9: {  	[tilespmem:s17], [sflag:$0x1] =	stream.indirect_vreg.gather [hbm4b:s1+s3], $0x80, v3, vm0, $0xb8;
	[tilespmem:$0x18900] =	vst v63  }
0xca: {  	_ =	swait.ge [sflag:s18], $0x8000  }
0xcb: {  	[sflag:s18] =	ssyncset.done $0x0  }
0xcc: {  	[sflag:s18] =	ssyncadd.s32 $0xFFFF8000  }
0xcd: {  	_ =	swait.ge [sflag:s18], $0x8000  }
0xce: {  	s25 =	sand.u32 $0x7800, s3;
	s24 =	sand.u32 $0x380, s3;
	[sflag:s18] =	ssyncset.done $0x0  }
0xcf: {  	s23 =	sor.u32 s24, s25;
	[sflag:s18] =	ssyncadd.s32 $0xFFFF8000  }
0xd0: {  	v3 =	vld [tilespmem:s23+$0x8570]  }
0xd1: {  	v4 =	vld [tilespmem:s23+$0x8560]  }
0xd2: {  	v5 =	vld [tilespmem:s23+$0x8550]  }
0xd3: {  	v6 =	vld [tilespmem:s23+$0x8540]  }
0xd4: {  	v7 =	vld [tilespmem:s23+$0x8530]  }
0xd5: {  	v8 =	vld [tilespmem:s23+$0x8520]  }
0xd6: {  	v9 =	vld [tilespmem:s23+$0x8510]  }
0xd7: {  	v10 =	vld [tilespmem:s23+$0x8500]  }
0xd8: {  	v11 =	vld [tilespmem:s23+$0x8170]  }
0xd9: {  	v12 =	vld [tilespmem:s23+$0x8160]  }
0xda: {  	v13 =	vld [tilespmem:s23+$0x8150]  }
0xdb: {  	v14 =	vld [tilespmem:s23+$0x8140]  }
0xdc: {  	v15 =	vld [tilespmem:s23+$0x8130]  }
0xdd: {  	v16 =	vld [tilespmem:s23+$0x8120]  }
0xde: {  	v17 =	vld [tilespmem:s23+$0x8110]  }
0xdf: {  	v18 =	vld [tilespmem:s23+$0x8100]  }
0xe0: {  	v19 =	vld [tilespmem:s23+$0x10100]  }
0xe1: {  	v20 =	vld [tilespmem:s23+$0x100]  }
0xe2: {  	v21 =	vld [tilespmem:s23+$0x110]  }
0xe3: {  	v22 =	vld [tilespmem:s23+$0x10110]  }
0xe4: {  	v23 =	vld [tilespmem:s23+$0x120]  }
0xe5: {  	v24 =	vld [tilespmem:s23+$0x10120]  }
0xe6: {  	v18 =	vmul.f32 v18, v20;
	v19 =	vmul.f32 v19, v20;
	v20 =	vld [tilespmem:s23+$0x130]  }
0xe7: {  	v25 =	vld [tilespmem:s23+$0x10130];
	v17 =	vmul.f32 v17, v21  }
0xe8: {  	v59 =	vld [tilespmem:s23+$0x140];
	v21 =	vmul.f32 v22, v21;
	v18 =	vadd.f32 $0.0e+00, v18;
	v19 =	vadd.f32 $0.0e+00, v19  }
0xe9: {  	v26 =	vld [tilespmem:s23+$0x10140];
	v16 =	vmul.f32 v16, v23  }
0xea: {  	v60 =	vld [tilespmem:s23+$0x150];
	v17 =	vadd.f32 v17, v18;
	v18 =	vadd.f32 v21, v19;
	v19 =	vmul.f32 v24, v23  }
0xeb: {  	v61 =	vld [tilespmem:s23+$0x10150];
	v15 =	vmul.f32 v15, v20  }
0xec: {  	v16 =	vadd.f32 v16, v17;
	v17 =	vadd.f32 v19, v18;
	v18 =	vmul.f32 v25, v20;
	v19 =	vld [tilespmem:s23+$0x160]  }
0xed: {  	v14 =	vmul.f32 v14, v59;
	v20 =	vld [tilespmem:s23+$0x10160]  }
0xee: {  	v15 =	vadd.f32 v15, v16;
	v16 =	vadd.f32 v18, v17;
	v17 =	vmul.f32 v26, v59;
	v18 =	vld [tilespmem:s23+$0x170]  }
0xef: {  	v62 =	vld [tilespmem:s23+$0x10170];
	v13 =	vmul.f32 v13, v60  }
0xf0: {  	v14 =	vadd.f32 v14, v15;
	v15 =	vadd.f32 v17, v16;
	v16 =	vmul.f32 v61, v60;
	v17 =	vld [tilespmem:s23+$0x500]  }
0xf1: {  	v63 =	vld [tilespmem:s23+$0x10500];
	v12 =	vmul.f32 v12, v19  }
0xf2: {  	v13 =	vadd.f32 v13, v14;
	v14 =	vadd.f32 v16, v15;
	v15 =	vmul.f32 v20, v19;
	v16 =	vld [tilespmem:s23+$0x510]  }
0xf3: {  	v19 =	vld [tilespmem:s23+$0x10510];
	v11 =	vmul.f32 v11, v18  }
0xf4: {  	v12 =	vadd.f32 v12, v13;
	v13 =	vadd.f32 v15, v14;
	v14 =	vmul.f32 v62, v18;
	v15 =	vld [tilespmem:s23+$0x520]  }
0xf5: {  	v18 =	vld [tilespmem:s23+$0x10520];
	v10 =	vmul.f32 v10, v17  }
0xf6: {  	v11 =	vadd.f32 v11, v12;
	v12 =	vadd.f32 v14, v13;
	v13 =	vmul.f32 v63, v17;
	v14 =	vld [tilespmem:s23+$0x530]  }
0xf7: {  	v17 =	vld [tilespmem:s23+$0x10530];
	v9 =	vmul.f32 v9, v16  }
0xf8: {  	v10 =	vadd.f32 v10, v11;
	v11 =	vadd.f32 v13, v12;
	v12 =	vmul.f32 v19, v16;
	v13 =	vld [tilespmem:s23+$0x540]  }
0xf9: {  	v16 =	vld [tilespmem:s23+$0x10540];
	v8 =	vmul.f32 v8, v15  }
0xfa: {  	v9 =	vadd.f32 v9, v10;
	v10 =	vadd.f32 v12, v11;
	v11 =	vmul.f32 v18, v15;
	v12 =	vld [tilespmem:s23+$0x550]  }
0xfb: {  	v15 =	vld [tilespmem:s23+$0x10550];
	v7 =	vmul.f32 v7, v14  }
0xfc: {  	v8 =	vadd.f32 v8, v9;
	v9 =	vadd.f32 v11, v10;
	v10 =	vmul.f32 v17, v14;
	v11 =	vld [tilespmem:s23+$0x560]  }
0xfd: {  	v14 =	vld [tilespmem:s23+$0x10560];
	v6 =	vmul.f32 v6, v13  }
0xfe: {  	v7 =	vadd.f32 v7, v8;
	v8 =	vadd.f32 v10, v9;
	v9 =	vmul.f32 v16, v13;
	v10 =	vld [tilespmem:s23+$0x570]  }
0xff: {  	v13 =	vld [tilespmem:s23+$0x10570];
	v5 =	vmul.f32 v5, v12  }
0x100: {  	v6 =	vadd.f32 v6, v7;
	v7 =	vadd.f32 v9, v8;
	v8 =	vmul.f32 v15, v12  }
0x101: {  	v4 =	vmul.f32 v4, v11  }
0x102: {  	v5 =	vadd.f32 v5, v6;
	v6 =	vadd.f32 v8, v7;
	v7 =	vmul.f32 v14, v11  }
0x103: {  	v3 =	vmul.f32 v3, v10  }
0x104: {  	v4 =	vadd.f32 v4, v5;
	v5 =	vadd.f32 v7, v6;
	v6 =	vmul.f32 v13, v10;
	_ =	sdelay $0x1  }
0x105: {  	v3 =	vadd.f32 v3, v4;
	v4 =	vadd.f32 v6, v5;
	_ =	sdelay $0x1  }
0x106: {  	s26 =	simm.s32 $0x100;
	s25 =	simm.s32 $0x80;
	v3 =	vadd.f32 v4, v3  }
0x107: {  	s28 =	sand.u32 $0x380, s25;
	s23 =	sand.u32 $0x7800, s26  }
0x108: {  	s24 =	sor.u32 s28, s23;
	[tilespmem:s21+$0x0] =	vst v3  }
0x109: {  	v3 =	vld [tilespmem:s24+$0x8570]  }
0x10a: {  	v4 =	vld [tilespmem:s24+$0x8560]  }
0x10b: {  	v5 =	vld [tilespmem:s24+$0x8550]  }
0x10c: {  	v6 =	vld [tilespmem:s24+$0x8540]  }
0x10d: {  	v7 =	vld [tilespmem:s24+$0x8530]  }
0x10e: {  	v8 =	vld [tilespmem:s24+$0x8520]  }
0x10f: {  	v9 =	vld [tilespmem:s24+$0x8510]  }
0x110: {  	v10 =	vld [tilespmem:s24+$0x8500]  }
0x111: {  	v11 =	vld [tilespmem:s24+$0x8170]  }
0x112: {  	v12 =	vld [tilespmem:s24+$0x8160]  }
0x113: {  	v13 =	vld [tilespmem:s24+$0x8150]  }
0x114: {  	v14 =	vld [tilespmem:s24+$0x8140]  }
0x115: {  	v15 =	vld [tilespmem:s24+$0x8130]  }
0x116: {  	v16 =	vld [tilespmem:s24+$0x8120]  }
0x117: {  	v17 =	vld [tilespmem:s24+$0x8110]  }
0x118: {  	s26 =	simm.s32 $0x200;
	s23 =	simm.s32 $0x18100;
	v18 =	vld [tilespmem:s24+$0x8100]  }
.LBB2_2:
0x119: {  	p0 =	sne.s32 s26, $0x7F00;
	v19 =	vld [tilespmem:s24+$0x10100]  }
0x11a: {  	v20 =	vld [tilespmem:s24+$0x100]  }
0x11b: {  	v21 =	vld [tilespmem:s24+$0x110]  }
0x11c: {  	v22 =	vld [tilespmem:s24+$0x10110]  }
0x11d: {  	v23 =	vld [tilespmem:s24+$0x120]  }
0x11e: {  	v24 =	vld [tilespmem:s24+$0x10120]  }
0x11f: {  	v18 =	vmul.f32 v18, v20;
	v19 =	vmul.f32 v19, v20;
	v20 =	vld [tilespmem:s24+$0x130]  }
0x120: {  	v17 =	vmul.f32 v17, v21;
	v25 =	vld [tilespmem:s24+$0x10130]  }
0x121: {  	v18 =	vadd.f32 $0.0e+00, v18;
	v19 =	vadd.f32 $0.0e+00, v19;
	v21 =	vmul.f32 v22, v21;
	v22 =	vld [tilespmem:s24+$0x140]  }
0x122: {  	v16 =	vmul.f32 v16, v23;
	v26 =	vld [tilespmem:s24+$0x10140]  }
0x123: {  	v17 =	vadd.f32 v17, v18;
	v18 =	vadd.f32 v21, v19;
	v19 =	vmul.f32 v24, v23;
	v21 =	vld [tilespmem:s24+$0x150]  }
0x124: {  	v15 =	vmul.f32 v15, v20;
	v23 =	vld [tilespmem:s24+$0x10150]  }
0x125: {  	v16 =	vadd.f32 v16, v17;
	v17 =	vadd.f32 v19, v18;
	v18 =	vmul.f32 v25, v20;
	v19 =	vld [tilespmem:s24+$0x160]  }
0x126: {  	v14 =	vmul.f32 v14, v22;
	v20 =	vld [tilespmem:s24+$0x10160]  }
0x127: {  	v15 =	vadd.f32 v15, v16;
	v16 =	vadd.f32 v18, v17;
	v17 =	vmul.f32 v26, v22;
	v18 =	vld [tilespmem:s24+$0x170]  }
0x128: {  	v13 =	vmul.f32 v13, v21;
	v22 =	vld [tilespmem:s24+$0x10170]  }
0x129: {  	v14 =	vadd.f32 v14, v15;
	v15 =	vadd.f32 v17, v16;
	v16 =	vmul.f32 v23, v21;
	v17 =	vld [tilespmem:s24+$0x500]  }
0x12a: {  	v12 =	vmul.f32 v12, v19;
	v21 =	vld [tilespmem:s24+$0x10500]  }
0x12b: {  	v13 =	vadd.f32 v13, v14;
	v14 =	vadd.f32 v16, v15;
	v15 =	vmul.f32 v20, v19;
	v16 =	vld [tilespmem:s24+$0x510]  }
0x12c: {  	v11 =	vmul.f32 v11, v18;
	v19 =	vld [tilespmem:s24+$0x10510]  }
0x12d: {  	v12 =	vadd.f32 v12, v13;
	v13 =	vadd.f32 v15, v14;
	v14 =	vmul.f32 v22, v18;
	v15 =	vld [tilespmem:s24+$0x520]  }
0x12e: {  	v10 =	vmul.f32 v10, v17;
	v18 =	vld [tilespmem:s24+$0x10520]  }
0x12f: {  	v11 =	vadd.f32 v11, v12;
	v12 =	vadd.f32 v14, v13;
	v13 =	vmul.f32 v21, v17;
	v14 =	vld [tilespmem:s24+$0x530]  }
0x130: {  	v9 =	vmul.f32 v9, v16;
	v17 =	vld [tilespmem:s24+$0x10530]  }
0x131: {  	v10 =	vadd.f32 v10, v11;
	v11 =	vadd.f32 v13, v12;
	v12 =	vmul.f32 v19, v16;
	v13 =	vld [tilespmem:s24+$0x540]  }
0x132: {  	v8 =	vmul.f32 v8, v15;
	v16 =	vld [tilespmem:s24+$0x10540]  }
0x133: {  	v9 =	vadd.f32 v9, v10;
	v10 =	vadd.f32 v12, v11;
	v11 =	vmul.f32 v18, v15;
	v12 =	vld [tilespmem:s24+$0x550]  }
0x134: {  	v7 =	vmul.f32 v7, v14;
	v15 =	vld [tilespmem:s24+$0x10550]  }
0x135: {  	v8 =	vadd.f32 v8, v9;
	v9 =	vadd.f32 v11, v10;
	v10 =	vmul.f32 v17, v14;
	v11 =	vld [tilespmem:s24+$0x560]  }
0x136: {  	v6 =	vmul.f32 v6, v13;
	v14 =	vld [tilespmem:s24+$0x10560]  }
0x137: {  	v7 =	vadd.f32 v7, v8;
	v8 =	vadd.f32 v10, v9;
	v9 =	vmul.f32 v16, v13;
	v10 =	vld [tilespmem:s24+$0x570]  }
0x138: {  	v5 =	vmul.f32 v5, v12;
	v13 =	vld [tilespmem:s24+$0x10570]  }
0x139: {  	v6 =	vadd.f32 v6, v7;
	v7 =	vadd.f32 v9, v8;
	v8 =	vmul.f32 v15, v12  }
0x13a: {  	v4 =	vmul.f32 v4, v11  }
0x13b: {  	v5 =	vadd.f32 v5, v6;
	v6 =	vadd.f32 v8, v7;
	v7 =	vmul.f32 v14, v11  }
0x13c: {  	v3 =	vmul.f32 v3, v10  }
0x13d: {  	v4 =	vadd.f32 v4, v5;
	v5 =	vadd.f32 v7, v6;
	v6 =	vmul.f32 v13, v10;
	_ =	sdelay $0x1  }
0x13e: {  	v3 =	vadd.f32 v3, v4;
	v4 =	vadd.f32 v6, v5;
	_ =	sdelay $0x1  }
0x13f: {  	s25 =	sadd.s32 $0x80, s25;
	v3 =	vadd.f32 v4, v3  }
0x140: {  	s23 =	sadd.s32 $0x10, s23;
	s28 =	sand.u32 $0x380, s25;
	s24 =	sand.u32 $0x7800, s26  }
0x141: {  	s24 =	sor.u32 s28, s24;
	[tilespmem:s23+$0x0] =	vst v3  }
0x142: {  	v3 =	vld [tilespmem:s24+$0x8570]  }
0x143: {  	v4 =	vld [tilespmem:s24+$0x8560]  }
0x144: {  	v5 =	vld [tilespmem:s24+$0x8550]  }
0x145: {  	v6 =	vld [tilespmem:s24+$0x8540]  }
0x146: {  	v7 =	vld [tilespmem:s24+$0x8530]  }
0x147: {  	v8 =	vld [tilespmem:s24+$0x8520]  }
0x148: {  	v9 =	vld [tilespmem:s24+$0x8510]  }
0x149: {  	v10 =	vld [tilespmem:s24+$0x8500]  }
0x14a: {  	v11 =	vld [tilespmem:s24+$0x8170]  }
0x14b: {  	v12 =	vld [tilespmem:s24+$0x8160]  }
0x14c: {  	v13 =	vld [tilespmem:s24+$0x8150]  }
.Ltmp0:
0x14d: {  	v14 =	vld [tilespmem:s24+$0x8140];
	(pc) =	sbr.rel @p0 .LBB2_2-.Ltmp0, $4  }
0x14e: {  	v15 =	vld [tilespmem:s24+$0x8130]  }
0x14f: {  	v16 =	vld [tilespmem:s24+$0x8120]  }
0x150: {  	v17 =	vld [tilespmem:s24+$0x8110]  }
0x151: {  	s26 =	sadd.s32 $0x100, s26;
	v18 =	vld [tilespmem:s24+$0x8100]  }
0x152: {  	v19 =	vld [tilespmem:s24+$0x10100]  }
0x153: {  	v20 =	vld [tilespmem:s24+$0x100]  }
0x154: {  	v21 =	vld [tilespmem:s24+$0x110]  }
0x155: {  	v22 =	vld [tilespmem:s24+$0x10110]  }
0x156: {  	v23 =	vld [tilespmem:s24+$0x120]  }
0x157: {  	v24 =	vld [tilespmem:s24+$0x10120]  }
0x158: {  	v51 =	vld [tilespmem:s24+$0x130];
	v18 =	vmul.f32 v18, v20;
	v19 =	vmul.f32 v19, v20  }
0x159: {  	v25 =	vld [tilespmem:s24+$0x10130];
	v17 =	vmul.f32 v17, v21  }
0x15a: {  	v52 =	vld [tilespmem:s24+$0x140];
	v21 =	vmul.f32 v22, v21;
	v18 =	vadd.f32 $0.0e+00, v18;
	v19 =	vadd.f32 $0.0e+00, v19  }
0x15b: {  	v26 =	vld [tilespmem:s24+$0x10140];
	v16 =	vmul.f32 v16, v23  }
0x15c: {  	v55 =	vld [tilespmem:s24+$0x150];
	v54 =	vmul.f32 v24, v23;
	v17 =	vadd.f32 v17, v18;
	v53 =	vadd.f32 v21, v19  }
0x15d: {  	v56 =	vld [tilespmem:s24+$0x10150];
	v15 =	vmul.f32 v15, v51  }
0x15e: {  	v59 =	vld [tilespmem:s24+$0x160];
	v58 =	vmul.f32 v25, v51;
	v16 =	vadd.f32 v16, v17;
	v57 =	vadd.f32 v54, v53  }
0x15f: {  	v60 =	vld [tilespmem:s24+$0x10160];
	v14 =	vmul.f32 v14, v52  }
0x160: {  	v63 =	vld [tilespmem:s24+$0x170];
	v62 =	vmul.f32 v26, v52;
	v15 =	vadd.f32 v15, v16;
	v61 =	vadd.f32 v58, v57  }
0x161: {  	v13 =	vmul.f32 v13, v55;
	v24 =	vld [tilespmem:s24+$0x10170]  }
0x162: {  	v27 =	vld [tilespmem:s24+$0x500];
	v26 =	vmul.f32 v56, v55;
	v14 =	vadd.f32 v14, v15;
	v25 =	vadd.f32 v62, v61  }
0x163: {  	v28 =	vld [tilespmem:s24+$0x10500];
	v12 =	vmul.f32 v12, v59  }
0x164: {  	v31 =	vld [tilespmem:s24+$0x510];
	v30 =	vmul.f32 v60, v59;
	v13 =	vadd.f32 v13, v14;
	v29 =	vadd.f32 v26, v25  }
0x165: {  	v32 =	vld [tilespmem:s24+$0x10510];
	v11 =	vmul.f32 v11, v63  }
0x166: {  	v35 =	vld [tilespmem:s24+$0x520];
	v34 =	vmul.f32 v24, v63;
	v12 =	vadd.f32 v12, v13;
	v33 =	vadd.f32 v30, v29  }
0x167: {  	v36 =	vld [tilespmem:s24+$0x10520];
	v10 =	vmul.f32 v10, v27  }
0x168: {  	v39 =	vld [tilespmem:s24+$0x530];
	v38 =	vmul.f32 v28, v27;
	v11 =	vadd.f32 v11, v12;
	v37 =	vadd.f32 v34, v33  }
0x169: {  	v40 =	vld [tilespmem:s24+$0x10530];
	v9 =	vmul.f32 v9, v31  }
0x16a: {  	v43 =	vld [tilespmem:s24+$0x540];
	v42 =	vmul.f32 v32, v31;
	v10 =	vadd.f32 v10, v11;
	v41 =	vadd.f32 v38, v37  }
0x16b: {  	v44 =	vld [tilespmem:s24+$0x10540];
	v8 =	vmul.f32 v8, v35  }
0x16c: {  	v47 =	vld [tilespmem:s24+$0x550];
	v46 =	vmul.f32 v36, v35;
	v9 =	vadd.f32 v9, v10;
	v45 =	vadd.f32 v42, v41  }
0x16d: {  	v48 =	vld [tilespmem:s24+$0x10550];
	v7 =	vmul.f32 v7, v39  }
0x16e: {  	v50 =	vmul.f32 v40, v39;
	v51 =	vld [tilespmem:s24+$0x560];
	v8 =	vadd.f32 v8, v9;
	v49 =	vadd.f32 v46, v45  }
0x16f: {  	v6 =	vmul.f32 v6, v43;
	v52 =	vld [tilespmem:s24+$0x10560]  }
0x170: {  	v55 =	vld [tilespmem:s24+$0x570];
	v54 =	vmul.f32 v44, v43;
	v7 =	vadd.f32 v7, v8;
	v53 =	vadd.f32 v50, v49  }
0x171: {  	v5 =	vmul.f32 v5, v47;
	v56 =	vld [tilespmem:s24+$0x10570]  }
0x172: {  	v58 =	vmul.f32 v48, v47;
	v6 =	vadd.f32 v6, v7;
	v57 =	vadd.f32 v54, v53  }
0x173: {  	v4 =	vmul.f32 v4, v51  }
0x174: {  	v60 =	vmul.f32 v52, v51;
	v5 =	vadd.f32 v5, v6;
	v59 =	vadd.f32 v58, v57  }
0x175: {  	v3 =	vmul.f32 v3, v55  }
0x176: {  	v62 =	vmul.f32 v56, v55;
	v4 =	vadd.f32 v4, v5;
	v61 =	vadd.f32 v60, v59;
	_ =	sdelay $0x1  }
0x177: {  	v3 =	vadd.f32 v3, v4;
	v63 =	vadd.f32 v62, v61;
	_ =	sdelay $0x1  }
0x178: {  	s22 =	sadd.s32 $0x1, s22;
	v3 =	vadd.f32 v63, v3  }
0x179: {  	s23 =	sadd.s32 $0x10, s23;
	p0 =	sne.s32 s22, s7  }
.Ltmp1:
0x17a: {  	[tilespmem:s23+$0x0] =	vst v3;
	(pc) =	sbr.rel @p0 .LBB2_1-.Ltmp1, $4  }
0x17b: {  	[hbm4b:s6+s19] =	stream.strided.scatter [tilespmem:s21], [sflag:$0x2], $0x800, s20, s19, $0x38;
	[tilespmem:$0x18900] =	vst v63  }
0x17c: {  	_ =	swait.ge [sflag:s8], $0x800  }
0x17d: {  	[sflag:s8] =	ssyncset.done $0x0  }
0x17e: {  	[sflag:s8] =	ssyncadd.s32 $0xFFFFF800  }
0x17f: {  	_ =	sfence.sel $0x180000  }
0x180: {  	[bflag:$0x0] =	sbarrier.arrive $0xFFFF  }
0x181: {  	_ =	strace $0x90000047  }
0x182: {  	s0 =	stileid.u32;
	[bflag:$0x2] =	sbarrier.arrive $0xFFFF  }
0x183: {  	p0 =	sne.s32 s0, $0x0;
	s0 =	rddreg [dreg:$0x4]  }
0x184: {  	s0 =	sadd.s32 @!p0 $0x100000, s0  }
0x185: {  	[sflag:s0] =	ssyncadd.tile.s32 @!p0 $0x1;
	_ =	shalt  }
.Lfunc_end2:
_tile_overlayer_lowered:
.L_overlay_start_2:
0x186: {  	(tag) =	ssettag $0x2  }
0x187: {  	s0 =	rddreg [dreg:$0x0];
	s2 =	stileid.u32  }
0x188: {  	s1 =	rddreg [dreg:$0x1];
	p0 =	sne.s32 s2, $0x0  }
0x189: {  	s3 =	rddreg [dreg:$0x2];
	[bflag:$0x3] =	sbarrier.arrive $0xFFFF;
	s2 =	simm.s32 @!p0 $0x1C02  }
0x18a: {  	[timem:s3], [sflag:s2] =	dma.local @!p0 [hbm:s0], s1  }
0x18b: {  	s0 =	simm.s32 @!p0 $0x2  }
0x18c: {  	_ =	swait.ge @!p0 [sflag:s0], s1  }
0x18d: {  	s1 =	ssub.s32 @!p0 $0x0, s1;
	[sflag:s0] =	ssyncset.done @!p0 $0x0  }
0x18e: {  	[sflag:s0] =	ssyncadd.s32 @!p0 s1  }
0x18f: {  	[bflag:$0x3] =	sbarrier.arrive $0xFFFF  }
0x190: {  	_ =	shalt  }

</sc_bundles>
